<compile_context>
chip_gen: v7x
topology: tpu7x:2x2x1
jax: 0.10.2.dev20260603
libtpu: 0.0.44.dev20260713+nightly
codegen_flags: <defaults>
</compile_context>

<pallas_src>
import jax
import jax.numpy as jnp
from jax import lax
from jax.experimental import pallas as pl
from jax.experimental.pallas import tpu as pltpu
from jax.experimental.pallas import tpu_sc as plsc

_INF = 100000000.0
_BACKGROUND = 8
_RADIUS = 1.5

_N = 21824
_NW = 32
_PER_W = 688
_NVEC = _PER_W // 16
_G = 100
_GV = 7

_f32 = jnp.float32
_i32 = jnp.int32


def _sqrt16(x):
    i = plsc.bitcast(x, _i32)
    y = plsc.bitcast(jnp.int32(0x5F3759DF) - (i >> 1), _f32)
    for _ in range(3):
        y = y * (1.5 - 0.5 * x * y * y)
    return x * y


def _body(xs_h, ys_h, st_h, rlo_h, rhi_h, gx1_h, gy1_h, gx2_h, gy2_h, glab_h,
          lab_o, bl_o, bt_o, br_o, bb_o, ctr_o,
          xs_v, ys_v, st_v, rlo_v, rhi_v,
          gx1_v, gy1_v, gx2_v, gy2_v, glab_v,
          cx_v, cy_v, ar_v, hm_v, gidx_v,
          lab_v, bl_v, bt_v, br_v, bb_v, ctr_v, sem):
    wid = lax.axis_index("s") * 2 + lax.axis_index("c")
    base = jnp.minimum(wid * _PER_W, _N - _PER_W)

    cp = [
        pltpu.async_copy(xs_h.at[pl.ds(base, _PER_W)], xs_v, sem),
        pltpu.async_copy(ys_h.at[pl.ds(base, _PER_W)], ys_v, sem),
        pltpu.async_copy(st_h.at[pl.ds(base, _PER_W)], st_v, sem),
        pltpu.async_copy(rlo_h.at[pl.ds(base, _PER_W)], rlo_v, sem),
        pltpu.async_copy(rhi_h.at[pl.ds(base, _PER_W)], rhi_v, sem),
        pltpu.async_copy(gx1_h, gx1_v.at[pl.ds(0, _G)], sem),
        pltpu.async_copy(gy1_h, gy1_v.at[pl.ds(0, _G)], sem),
        pltpu.async_copy(gx2_h, gx2_v.at[pl.ds(0, _G)], sem),
        pltpu.async_copy(gy2_h, gy2_v.at[pl.ds(0, _G)], sem),
        pltpu.async_copy(glab_h, glab_v.at[pl.ds(0, _G)], sem),
    ]
    for c in cp:
        c.wait()

    iota16 = jnp.arange(16, dtype=_i32)

    for j in range(_GV):
        sl = pl.ds(j * 16, 16)
        x1 = gx1_v[sl]
        y1 = gy1_v[sl]
        x2 = gx2_v[sl]
        y2 = gy2_v[sl]
        cx_v[sl] = (x1 + x2) * 0.5
        cy_v[sl] = (y1 + y2) * 0.5
        ar_v[sl] = (x2 - x1) * (y2 - y1)
        hm_v[sl] = jnp.maximum(x2 - x1, y2 - y1)

    def point_vec(i, _):
        off = i * 16
        sl = pl.ds(off, 16)
        xs = xs_v[sl]
        ys = ys_v[sl]
        rlo = rlo_v[sl]
        rhi = rhi_v[sl]
        st = st_v[sl]
        rad = st * _RADIUS

        pxmn = jnp.min(xs)
        pxmx = jnp.max(xs)
        pymn = jnp.min(ys)
        pymx = jnp.max(ys)
        radv = jnp.max(rad)
        rlomn = jnp.min(rlo)
        rhimx2 = jnp.max(rhi) * 2.0
        tot = jnp.int32(0)
        for j in range(_GV):
            gsl = pl.ds(j * 16, 16)
            gvec = iota16 + (j * 16)
            x1 = gx1_v[gsl]
            y1 = gy1_v[gsl]
            x2 = gx2_v[gsl]
            y2 = gy2_v[gsl]
            cx = cx_v[gsl]
            cy = cy_v[gsl]
            hm = hm_v[gsl]
            cgx1 = jnp.maximum(cx - radv, x1)
            cgx2 = jnp.minimum(cx + radv, x2)
            cgy1 = jnp.maximum(cy - radv, y1)
            cgy2 = jnp.minimum(cy + radv, y2)
            keep = (cgx1 < pxmx) & (cgx2 > pxmn) & (cgy1 < pymx) & (cgy2 > pymn)
            keep &= (hm >= rlomn) & (hm <= rhimx2)
            keep &= gvec < _G
            plsc.store_compressed(gidx_v.at[pl.ds(tot, 16)], gvec, mask=keep)
            tot = tot + jnp.sum(keep.astype(_i32))

        def per_gt(k, carry):
            min_area, min_idx = carry
            ki = jnp.full((16,), k, _i32)
            gi = plsc.load_gather(gidx_v, [ki])
            x1 = plsc.load_gather(gx1_v, [gi])
            y1 = plsc.load_gather(gy1_v, [gi])
            x2 = plsc.load_gather(gx2_v, [gi])
            y2 = plsc.load_gather(gy2_v, [gi])
            cx = plsc.load_gather(cx_v, [gi])
            cy = plsc.load_gather(cy_v, [gi])
            ar = plsc.load_gather(ar_v, [gi])
            l = xs - x1
            t = ys - y1
            r = x2 - xs
            b = y2 - ys
            maxreg = jnp.maximum(jnp.maximum(l, t), jnp.maximum(r, b))
            in_rr = (maxreg >= rlo) & (maxreg <= rhi)
            cgx1 = jnp.maximum(cx - rad, x1)
            cgy1 = jnp.maximum(cy - rad, y1)
            cgx2 = jnp.minimum(cx + rad, x2)
            cgy2 = jnp.minimum(cy + rad, y2)
            m = jnp.minimum(jnp.minimum(xs - cgx1, ys - cgy1),
                            jnp.minimum(cgx2 - xs, cgy2 - ys))
            cond = (m > 0) & in_rr
            a_m = jnp.where(cond, ar, _INF)
            better = a_m < min_area
            return jnp.minimum(min_area, a_m), jnp.where(better, gi, min_idx)

        init = (jnp.full((16,), _INF, _f32), jnp.zeros((16,), _i32))
        min_area, min_idx = lax.fori_loop(0, tot, per_gt, init)

        wx1 = plsc.load_gather(gx1_v, [min_idx])
        wy1 = plsc.load_gather(gy1_v, [min_idx])
        wx2 = plsc.load_gather(gx2_v, [min_idx])
        wy2 = plsc.load_gather(gy2_v, [min_idx])
        wl = plsc.load_gather(glab_v, [min_idx])
        l = xs - wx1
        t = ys - wy1
        r = wx2 - xs
        b = wy2 - ys
        lr_min = jnp.minimum(l, r)
        lr_max = jnp.maximum(l, r)
        tb_min = jnp.minimum(t, b)
        tb_max = jnp.maximum(t, b)
        ratio = (lr_min / jnp.maximum(lr_max, 1e-6)) * (tb_min / jnp.maximum(tb_max, 1e-6))
        ctr = _sqrt16(jnp.maximum(ratio, 1e-12))
        is_bg = min_area >= _INF
        lab_v[sl] = jnp.where(is_bg, _BACKGROUND, wl)
        ctr_v[sl] = ctr
        bl_v[sl] = l / st
        bt_v[sl] = t / st
        br_v[sl] = r / st
        bb_v[sl] = b / st
        return _

    lax.fori_loop(0, _NVEC, point_vec, 0)

    out = [
        pltpu.async_copy(lab_v, lab_o.at[pl.ds(base, _PER_W)], sem),
        pltpu.async_copy(bl_v, bl_o.at[pl.ds(base, _PER_W)], sem),
        pltpu.async_copy(bt_v, bt_o.at[pl.ds(base, _PER_W)], sem),
        pltpu.async_copy(br_v, br_o.at[pl.ds(base, _PER_W)], sem),
        pltpu.async_copy(bb_v, bb_o.at[pl.ds(base, _PER_W)], sem),
        pltpu.async_copy(ctr_v, ctr_o.at[pl.ds(base, _PER_W)], sem),
    ]
    for c in out:
        c.wait()


_sc_call = pl.kernel(
    _body,
    out_type=tuple(
        jax.ShapeDtypeStruct((_N,), dt)
        for dt in (_i32, _f32, _f32, _f32, _f32, _f32)
    ),
    mesh=plsc.VectorSubcoreMesh(
        core_axis_name="c", subcore_axis_name="s", num_cores=2, num_subcores=16
    ),
    compiler_params=pltpu.CompilerParams(
        needs_layout_passes=False, use_tc_tiling_on_sc=False),
    scratch_types=[
        pltpu.VMEM((_PER_W,), _f32),
        pltpu.VMEM((_PER_W,), _f32),
        pltpu.VMEM((_PER_W,), _f32),
        pltpu.VMEM((_PER_W,), _f32),
        pltpu.VMEM((_PER_W,), _f32),
        pltpu.VMEM((_GV * 16,), _f32),
        pltpu.VMEM((_GV * 16,), _f32),
        pltpu.VMEM((_GV * 16,), _f32),
        pltpu.VMEM((_GV * 16,), _f32),
        pltpu.VMEM((_GV * 16,), _i32),
        pltpu.VMEM((_GV * 16,), _f32),
        pltpu.VMEM((_GV * 16,), _f32),
        pltpu.VMEM((_GV * 16,), _f32),
        pltpu.VMEM((_GV * 16,), _f32),
        pltpu.VMEM((128,), _i32),
        pltpu.VMEM((_PER_W,), _i32),
        pltpu.VMEM((_PER_W,), _f32),
        pltpu.VMEM((_PER_W,), _f32),
        pltpu.VMEM((_PER_W,), _f32),
        pltpu.VMEM((_PER_W,), _f32),
        pltpu.VMEM((_PER_W,), _f32),
        pltpu.SemaphoreType.DMA,
    ],
)


def kernel(points, gt_bboxes, gt_labels, regress_ranges, strides_per_point):
    lab, bl, bt, br, bb, ctr = _sc_call(
        points[:, 0], points[:, 1], strides_per_point,
        regress_ranges[:, 0], regress_ranges[:, 1],
        gt_bboxes[:, 0], gt_bboxes[:, 1], gt_bboxes[:, 2], gt_bboxes[:, 3],
        gt_labels.astype(_i32))
    return lab, jnp.stack([bl, bt, br, bb], axis=-1), ctr

# --- scband reference (transcript-rebuilt; emitter-appended) ---
"""Pipeline reference for scband-vehicle-side-fcostarget-82884278879268 (READ-ONLY COPY).

The authoritative reference and input builder live on the scoring server;
editing this copy changes nothing except your own understanding.
"""

import jax, jax.numpy as jnp
import numpy as np

INF = 100000000.0
STRIDES = (8, 16, 32, 64, 128)
FEAT_SIZES = ((128, 128), (64, 64), (32, 32), (16, 16), (8, 8))
REGRESS_RANGES = ((-1.0, 64.0), (64.0, 128.0), (128.0, 256.0), (256.0, 512.0), (512.0, INF))
BACKGROUND_LABEL = 8
CENTER_SAMPLE_RADIUS = 1.5
NORM_ON_BBOX = True
NUM_GTS = 100


def setup_inputs(seed: int = 0) -> dict:
    key = jax.random.key(seed)
    pts, rrs, sts = [], [], []
    for (h, w), s, r in zip(FEAT_SIZES, STRIDES, REGRESS_RANGES):
        ys, xs = np.meshgrid(np.arange(h), np.arange(w), indexing='ij')
        p = np.stack([xs.reshape(-1) * s, ys.reshape(-1) * s], -1) + s // 2
        pts.append(p.astype(np.float32))
        rrs.append(np.tile(np.array(r, np.float32)[None, :], (h * w, 1)))
        sts.append(np.full((h * w,), s, np.float32))
    points = jnp.asarray(np.concatenate(pts, 0))
    regress_ranges = jnp.asarray(np.concatenate(rrs, 0))
    strides_per_point = jnp.asarray(np.concatenate(sts, 0))
    k1, k2, k3 = jax.random.split(key, 3)
    cxy = jax.random.uniform(k1, (NUM_GTS, 2), minval=0.0, maxval=1024.0)
    wh = jax.random.uniform(k2, (NUM_GTS, 2), minval=16.0, maxval=512.0)
    gt_bboxes = jnp.concatenate([jnp.clip(cxy - wh / 2, 0.0, 1024.0), jnp.clip(cxy + wh / 2, 0.0, 1024.0)], -1)
    gt_labels = jax.random.randint(k3, (NUM_GTS,), 0, 8)
    return {
        'points': points,
        'gt_bboxes': gt_bboxes,
        'gt_labels': gt_labels,
        'regress_ranges': regress_ranges,
        'strides_per_point': strides_per_point,
    }


def reference(points, gt_bboxes, gt_labels, regress_ranges, strides_per_point):
    n = points.shape[0]
    xs = points[:, 0][:, None]
    ys = points[:, 1][:, None]
    left = xs - gt_bboxes[None, :, 0]
    top = ys - gt_bboxes[None, :, 1]
    right = gt_bboxes[None, :, 2] - xs
    bottom = gt_bboxes[None, :, 3] - ys
    bbox_targets = jnp.stack([left, top, right, bottom], -1)
    # center sampling
    stride = strides_per_point[:, None] * CENTER_SAMPLE_RADIUS
    center_xs = (gt_bboxes[None, :, 0] + gt_bboxes[None, :, 2]) * 0.5
    center_ys = (gt_bboxes[None, :, 1] + gt_bboxes[None, :, 3]) * 0.5
    x_mins = center_xs - stride
    y_mins = center_ys - stride
    x_maxs = center_xs + stride
    y_maxs = center_ys + stride
    cg_x1 = jnp.maximum(x_mins, gt_bboxes[None, :, 0])
    cg_y1 = jnp.maximum(y_mins, gt_bboxes[None, :, 1])
    cg_x2 = jnp.minimum(x_maxs, gt_bboxes[None, :, 2])
    cg_y2 = jnp.minimum(y_maxs, gt_bboxes[None, :, 3])
    center_bbox = jnp.stack([xs - cg_x1, ys - cg_y1, cg_x2 - xs, cg_y2 - ys], -1)
    inside_gt_bbox_mask = center_bbox.min(-1) > 0
    max_regress_distance = bbox_targets.max(-1)
    inside_regress_range = (max_regress_distance >= regress_ranges[:, 0:1]) & (max_regress_distance <= regress_ranges[:, 1:2])
    areas = (gt_bboxes[:, 2] - gt_bboxes[:, 0]) * (gt_bboxes[:, 3] - gt_bboxes[:, 1])
    areas_m = jnp.where(inside_gt_bbox_mask & inside_regress_range, areas[None, :], INF)
    min_area = areas_m.min(1)
    min_area_inds = jnp.argmin(areas_m, 1)
    labels = jnp.where(min_area >= INF, BACKGROUND_LABEL, gt_labels[min_area_inds])
    bt = bbox_targets[jnp.arange(n), min_area_inds]
    lr_min = jnp.minimum(bt[:, 0], bt[:, 2])
    lr_max = jnp.maximum(bt[:, 0], bt[:, 2])
    tb_min = jnp.minimum(bt[:, 1], bt[:, 3])
    tb_max = jnp.maximum(bt[:, 1], bt[:, 3])
    ratio = (lr_min / jnp.maximum(lr_max, 1e-6)) * (tb_min / jnp.maximum(tb_max, 1e-6))
    centerness = jnp.sqrt(jnp.clip(ratio, 1e-12))
    if NORM_ON_BBOX:
        bt = bt / strides_per_point[:, None]
    return labels, bt, centerness

if __name__ == "__main__":
    import jax
    _d = setup_inputs()
    print(jax.jit(kernel)(*tuple(_d.values())))

</pallas_src>

<mosaic_0001>
#map = affine_map<(d0, d1) -> (0)>
module attributes {stable_mosaic.version = 14 : i64} {
  func.func @_body(%arg0: i32, %arg1: i32, %arg2: memref<21824xf32, #tpu.memory_space<hbm>>, %arg3: memref<21824xf32, #tpu.memory_space<hbm>>, %arg4: memref<21824xf32, #tpu.memory_space<hbm>>, %arg5: memref<21824xf32, #tpu.memory_space<hbm>>, %arg6: memref<21824xf32, #tpu.memory_space<hbm>>, %arg7: memref<100xf32, #tpu.memory_space<hbm>>, %arg8: memref<100xf32, #tpu.memory_space<hbm>>, %arg9: memref<100xf32, #tpu.memory_space<hbm>>, %arg10: memref<100xf32, #tpu.memory_space<hbm>>, %arg11: memref<100xi32, #tpu.memory_space<hbm>>, %arg12: memref<21824xi32, #tpu.memory_space<hbm>>, %arg13: memref<21824xf32, #tpu.memory_space<hbm>>, %arg14: memref<21824xf32, #tpu.memory_space<hbm>>, %arg15: memref<21824xf32, #tpu.memory_space<hbm>>, %arg16: memref<21824xf32, #tpu.memory_space<hbm>>, %arg17: memref<21824xf32, #tpu.memory_space<hbm>>, %arg18: memref<688xf32, #tpu.memory_space<vmem>>, %arg19: memref<688xf32, #tpu.memory_space<vmem>>, %arg20: memref<688xf32, #tpu.memory_space<vmem>>, %arg21: memref<688xf32, #tpu.memory_space<vmem>>, %arg22: memref<688xf32, #tpu.memory_space<vmem>>, %arg23: memref<112xf32, #tpu.memory_space<vmem>>, %arg24: memref<112xf32, #tpu.memory_space<vmem>>, %arg25: memref<112xf32, #tpu.memory_space<vmem>>, %arg26: memref<112xf32, #tpu.memory_space<vmem>>, %arg27: memref<112xi32, #tpu.memory_space<vmem>>, %arg28: memref<112xf32, #tpu.memory_space<vmem>>, %arg29: memref<112xf32, #tpu.memory_space<vmem>>, %arg30: memref<112xf32, #tpu.memory_space<vmem>>, %arg31: memref<112xf32, #tpu.memory_space<vmem>>, %arg32: memref<128xi32, #tpu.memory_space<vmem>>, %arg33: memref<688xi32, #tpu.memory_space<vmem>>, %arg34: memref<688xf32, #tpu.memory_space<vmem>>, %arg35: memref<688xf32, #tpu.memory_space<vmem>>, %arg36: memref<688xf32, #tpu.memory_space<vmem>>, %arg37: memref<688xf32, #tpu.memory_space<vmem>>, %arg38: memref<688xf32, #tpu.memory_space<vmem>>, %arg39: memref<!tpu.dma_semaphore, #tpu.memory_space<semaphore_mem>>) attributes {dimension_semantics = [#tpu.dimension_semantics<core_parallel>, #tpu.dimension_semantics<subcore_parallel>], iteration_bounds = array<i64: 2, 16>, scalar_prefetch = 0 : i64, scratch_operands = 22 : i64, tpu.core_type = #tpu.core_type<sc_vector_subcore>, window_params = [{transform_indices = #map}, {transform_indices = #map}, {transform_indices = #map}, {transform_indices = #map}, {transform_indices = #map}, {transform_indices = #map}, {transform_indices = #map}, {transform_indices = #map}, {transform_indices = #map}, {transform_indices = #map}, {transform_indices = #map}, {transform_indices = #map}, {transform_indices = #map}, {transform_indices = #map}, {transform_indices = #map}, {transform_indices = #map}]} {
    %mul3A = arith.constant 2 : i32
    %mul3A_0 = arith.muli %arg1, %mul3A : i32
    %add3A = arith.addi %mul3A_0, %arg0 : i32
    %mul3A_1 = arith.constant 688 : i32
    %mul3A_2 = arith.muli %add3A, %mul3A_1 : i32
    %min3A = arith.constant 21136 : i32
    %min3A_3 = arith.minsi %mul3A_2, %min3A : i32
    %dma_start3A = tpu.memref_slice %arg2[%min3A_3] : memref<21824xf32, #tpu.memory_space<hbm>> -> memref<688xf32, #tpu.memory_space<hbm>>
    %dma_start3A_4 = tpu.memref_slice %arg2[%min3A_3] : memref<21824xf32, #tpu.memory_space<hbm>> -> memref<688xf32, #tpu.memory_space<hbm>>
    tpu.enqueue_dma source(%dma_start3A_4 : memref<688xf32, #tpu.memory_space<hbm>>) target(%arg18 : memref<688xf32, #tpu.memory_space<vmem>>) target_semaphore(%arg39 : memref<!tpu.dma_semaphore, #tpu.memory_space<semaphore_mem>>)
    %dma_start3A_5 = tpu.memref_slice %arg3[%min3A_3] : memref<21824xf32, #tpu.memory_space<hbm>> -> memref<688xf32, #tpu.memory_space<hbm>>
    %dma_start3A_6 = tpu.memref_slice %arg3[%min3A_3] : memref<21824xf32, #tpu.memory_space<hbm>> -> memref<688xf32, #tpu.memory_space<hbm>>
    tpu.enqueue_dma source(%dma_start3A_6 : memref<688xf32, #tpu.memory_space<hbm>>) target(%arg19 : memref<688xf32, #tpu.memory_space<vmem>>) target_semaphore(%arg39 : memref<!tpu.dma_semaphore, #tpu.memory_space<semaphore_mem>>)
    %dma_start3A_7 = tpu.memref_slice %arg4[%min3A_3] : memref<21824xf32, #tpu.memory_space<hbm>> -> memref<688xf32, #tpu.memory_space<hbm>>
    %dma_start3A_8 = tpu.memref_slice %arg4[%min3A_3] : memref<21824xf32, #tpu.memory_space<hbm>> -> memref<688xf32, #tpu.memory_space<hbm>>
    tpu.enqueue_dma source(%dma_start3A_8 : memref<688xf32, #tpu.memory_space<hbm>>) target(%arg20 : memref<688xf32, #tpu.memory_space<vmem>>) target_semaphore(%arg39 : memref<!tpu.dma_semaphore, #tpu.memory_space<semaphore_mem>>)
    %dma_start3A_9 = tpu.memref_slice %arg5[%min3A_3] : memref<21824xf32, #tpu.memory_space<hbm>> -> memref<688xf32, #tpu.memory_space<hbm>>
    %dma_start3A_10 = tpu.memref_slice %arg5[%min3A_3] : memref<21824xf32, #tpu.memory_space<hbm>> -> memref<688xf32, #tpu.memory_space<hbm>>
    tpu.enqueue_dma source(%dma_start3A_10 : memref<688xf32, #tpu.memory_space<hbm>>) target(%arg21 : memref<688xf32, #tpu.memory_space<vmem>>) target_semaphore(%arg39 : memref<!tpu.dma_semaphore, #tpu.memory_space<semaphore_mem>>)
    %dma_start3A_11 = tpu.memref_slice %arg6[%min3A_3] : memref<21824xf32, #tpu.memory_space<hbm>> -> memref<688xf32, #tpu.memory_space<hbm>>
    %dma_start3A_12 = tpu.memref_slice %arg6[%min3A_3] : memref<21824xf32, #tpu.memory_space<hbm>> -> memref<688xf32, #tpu.memory_space<hbm>>
    tpu.enqueue_dma source(%dma_start3A_12 : memref<688xf32, #tpu.memory_space<hbm>>) target(%arg22 : memref<688xf32, #tpu.memory_space<vmem>>) target_semaphore(%arg39 : memref<!tpu.dma_semaphore, #tpu.memory_space<semaphore_mem>>)
    %dma_start3A_13 = arith.constant 0 : i32
    %dma_start3A_14 = tpu.memref_slice %arg23[%dma_start3A_13] : memref<112xf32, #tpu.memory_space<vmem>> -> memref<100xf32, #tpu.memory_space<vmem>>
    %dma_start3A_15 = arith.constant 0 : i32
    %dma_start3A_16 = tpu.memref_slice %arg23[%dma_start3A_15] : memref<112xf32, #tpu.memory_space<vmem>> -> memref<100xf32, #tpu.memory_space<vmem>>
    tpu.enqueue_dma source(%arg7 : memref<100xf32, #tpu.memory_space<hbm>>) target(%dma_start3A_16 : memref<100xf32, #tpu.memory_space<vmem>>) target_semaphore(%arg39 : memref<!tpu.dma_semaphore, #tpu.memory_space<semaphore_mem>>)
    %dma_start3A_17 = arith.constant 0 : i32
    %dma_start3A_18 = tpu.memref_slice %arg24[%dma_start3A_17] : memref<112xf32, #tpu.memory_space<vmem>> -> memref<100xf32, #tpu.memory_space<vmem>>
    %dma_start3A_19 = arith.constant 0 : i32
    %dma_start3A_20 = tpu.memref_slice %arg24[%dma_start3A_19] : memref<112xf32, #tpu.memory_space<vmem>> -> memref<100xf32, #tpu.memory_space<vmem>>
    tpu.enqueue_dma source(%arg8 : memref<100xf32, #tpu.memory_space<hbm>>) target(%dma_start3A_20 : memref<100xf32, #tpu.memory_space<vmem>>) target_semaphore(%arg39 : memref<!tpu.dma_semaphore, #tpu.memory_space<semaphore_mem>>)
    %dma_start3A_21 = arith.constant 0 : i32
    %dma_start3A_22 = tpu.memref_slice %arg25[%dma_start3A_21] : memref<112xf32, #tpu.memory_space<vmem>> -> memref<100xf32, #tpu.memory_space<vmem>>
    %dma_start3A_23 = arith.constant 0 : i32
    %dma_start3A_24 = tpu.memref_slice %arg25[%dma_start3A_23] : memref<112xf32, #tpu.memory_space<vmem>> -> memref<100xf32, #tpu.memory_space<vmem>>
    tpu.enqueue_dma source(%arg9 : memref<100xf32, #tpu.memory_space<hbm>>) target(%dma_start3A_24 : memref<100xf32, #tpu.memory_space<vmem>>) target_semaphore(%arg39 : memref<!tpu.dma_semaphore, #tpu.memory_space<semaphore_mem>>)
    %dma_start3A_25 = arith.constant 0 : i32
    %dma_start3A_26 = tpu.memref_slice %arg26[%dma_start3A_25] : memref<112xf32, #tpu.memory_space<vmem>> -> memref<100xf32, #tpu.memory_space<vmem>>
    %dma_start3A_27 = arith.constant 0 : i32
    %dma_start3A_28 = tpu.memref_slice %arg26[%dma_start3A_27] : memref<112xf32, #tpu.memory_space<vmem>> -> memref<100xf32, #tpu.memory_space<vmem>>
    tpu.enqueue_dma source(%arg10 : memref<100xf32, #tpu.memory_space<hbm>>) target(%dma_start3A_28 : memref<100xf32, #tpu.memory_space<vmem>>) target_semaphore(%arg39 : memref<!tpu.dma_semaphore, #tpu.memory_space<semaphore_mem>>)
    %dma_start3A_29 = arith.constant 0 : i32
    %dma_start3A_30 = tpu.memref_slice %arg27[%dma_start3A_29] : memref<112xi32, #tpu.memory_space<vmem>> -> memref<100xi32, #tpu.memory_space<vmem>>
    %dma_start3A_31 = arith.constant 0 : i32
    %dma_start3A_32 = tpu.memref_slice %arg27[%dma_start3A_31] : memref<112xi32, #tpu.memory_space<vmem>> -> memref<100xi32, #tpu.memory_space<vmem>>
    tpu.enqueue_dma source(%arg11 : memref<100xi32, #tpu.memory_space<hbm>>) target(%dma_start3A_32 : memref<100xi32, #tpu.memory_space<vmem>>) target_semaphore(%arg39 : memref<!tpu.dma_semaphore, #tpu.memory_space<semaphore_mem>>)
    %dma_wait3A = tpu.memref_slice %arg2[%min3A_3] : memref<21824xf32, #tpu.memory_space<hbm>> -> memref<688xf32, #tpu.memory_space<hbm>>
    %dma_wait3A_33 = tpu.memref_slice %arg2[%min3A_3] : memref<21824xf32, #tpu.memory_space<hbm>> -> memref<688xf32, #tpu.memory_space<hbm>>
    tpu.wait_dma2 semaphore(%arg39 : memref<!tpu.dma_semaphore, #tpu.memory_space<semaphore_mem>>) src(%dma_wait3A_33 : memref<688xf32, #tpu.memory_space<hbm>>) dst(%arg18 : memref<688xf32, #tpu.memory_space<vmem>>)
    %dma_wait3A_34 = tpu.memref_slice %arg3[%min3A_3] : memref<21824xf32, #tpu.memory_space<hbm>> -> memref<688xf32, #tpu.memory_space<hbm>>
    %dma_wait3A_35 = tpu.memref_slice %arg3[%min3A_3] : memref<21824xf32, #tpu.memory_space<hbm>> -> memref<688xf32, #tpu.memory_space<hbm>>
    tpu.wait_dma2 semaphore(%arg39 : memref<!tpu.dma_semaphore, #tpu.memory_space<semaphore_mem>>) src(%dma_wait3A_35 : memref<688xf32, #tpu.memory_space<hbm>>) dst(%arg19 : memref<688xf32, #tpu.memory_space<vmem>>)
    %dma_wait3A_36 = tpu.memref_slice %arg4[%min3A_3] : memref<21824xf32, #tpu.memory_space<hbm>> -> memref<688xf32, #tpu.memory_space<hbm>>
    %dma_wait3A_37 = tpu.memref_slice %arg4[%min3A_3] : memref<21824xf32, #tpu.memory_space<hbm>> -> memref<688xf32, #tpu.memory_space<hbm>>
    tpu.wait_dma2 semaphore(%arg39 : memref<!tpu.dma_semaphore, #tpu.memory_space<semaphore_mem>>) src(%dma_wait3A_37 : memref<688xf32, #tpu.memory_space<hbm>>) dst(%arg20 : memref<688xf32, #tpu.memory_space<vmem>>)
    %dma_wait3A_38 = tpu.memref_slice %arg5[%min3A_3] : memref<21824xf32, #tpu.memory_space<hbm>> -> memref<688xf32, #tpu.memory_space<hbm>>
    %dma_wait3A_39 = tpu.memref_slice %arg5[%min3A_3] : memref<21824xf32, #tpu.memory_space<hbm>> -> memref<688xf32, #tpu.memory_space<hbm>>
    tpu.wait_dma2 semaphore(%arg39 : memref<!tpu.dma_semaphore, #tpu.memory_space<semaphore_mem>>) src(%dma_wait3A_39 : memref<688xf32, #tpu.memory_space<hbm>>) dst(%arg21 : memref<688xf32, #tpu.memory_space<vmem>>)
    %dma_wait3A_40 = tpu.memref_slice %arg6[%min3A_3] : memref<21824xf32, #tpu.memory_space<hbm>> -> memref<688xf32, #tpu.memory_space<hbm>>
    %dma_wait3A_41 = tpu.memref_slice %arg6[%min3A_3] : memref<21824xf32, #tpu.memory_space<hbm>> -> memref<688xf32, #tpu.memory_space<hbm>>
    tpu.wait_dma2 semaphore(%arg39 : memref<!tpu.dma_semaphore, #tpu.memory_space<semaphore_mem>>) src(%dma_wait3A_41 : memref<688xf32, #tpu.memory_space<hbm>>) dst(%arg22 : memref<688xf32, #tpu.memory_space<vmem>>)
    %dma_wait3A_42 = arith.constant 0 : i32
    %dma_wait3A_43 = tpu.memref_slice %arg23[%dma_wait3A_42] : memref<112xf32, #tpu.memory_space<vmem>> -> memref<100xf32, #tpu.memory_space<vmem>>
    %dma_wait3A_44 = arith.constant 0 : i32
    %dma_wait3A_45 = tpu.memref_slice %arg23[%dma_wait3A_44] : memref<112xf32, #tpu.memory_space<vmem>> -> memref<100xf32, #tpu.memory_space<vmem>>
    tpu.wait_dma2 semaphore(%arg39 : memref<!tpu.dma_semaphore, #tpu.memory_space<semaphore_mem>>) src(%arg7 : memref<100xf32, #tpu.memory_space<hbm>>) dst(%dma_wait3A_45 : memref<100xf32, #tpu.memory_space<vmem>>)
    %dma_wait3A_46 = arith.constant 0 : i32
    %dma_wait3A_47 = tpu.memref_slice %arg24[%dma_wait3A_46] : memref<112xf32, #tpu.memory_space<vmem>> -> memref<100xf32, #tpu.memory_space<vmem>>
    %dma_wait3A_48 = arith.constant 0 : i32
    %dma_wait3A_49 = tpu.memref_slice %arg24[%dma_wait3A_48] : memref<112xf32, #tpu.memory_space<vmem>> -> memref<100xf32, #tpu.memory_space<vmem>>
    tpu.wait_dma2 semaphore(%arg39 : memref<!tpu.dma_semaphore, #tpu.memory_space<semaphore_mem>>) src(%arg8 : memref<100xf32, #tpu.memory_space<hbm>>) dst(%dma_wait3A_49 : memref<100xf32, #tpu.memory_space<vmem>>)
    %dma_wait3A_50 = arith.constant 0 : i32
    %dma_wait3A_51 = tpu.memref_slice %arg25[%dma_wait3A_50] : memref<112xf32, #tpu.memory_space<vmem>> -> memref<100xf32, #tpu.memory_space<vmem>>
    %dma_wait3A_52 = arith.constant 0 : i32
    %dma_wait3A_53 = tpu.memref_slice %arg25[%dma_wait3A_52] : memref<112xf32, #tpu.memory_space<vmem>> -> memref<100xf32, #tpu.memory_space<vmem>>
    tpu.wait_dma2 semaphore(%arg39 : memref<!tpu.dma_semaphore, #tpu.memory_space<semaphore_mem>>) src(%arg9 : memref<100xf32, #tpu.memory_space<hbm>>) dst(%dma_wait3A_53 : memref<100xf32, #tpu.memory_space<vmem>>)
    %dma_wait3A_54 = arith.constant 0 : i32
    %dma_wait3A_55 = tpu.memref_slice %arg26[%dma_wait3A_54] : memref<112xf32, #tpu.memory_space<vmem>> -> memref<100xf32, #tpu.memory_space<vmem>>
    %dma_wait3A_56 = arith.constant 0 : i32
    %dma_wait3A_57 = tpu.memref_slice %arg26[%dma_wait3A_56] : memref<112xf32, #tpu.memory_space<vmem>> -> memref<100xf32, #tpu.memory_space<vmem>>
    tpu.wait_dma2 semaphore(%arg39 : memref<!tpu.dma_semaphore, #tpu.memory_space<semaphore_mem>>) src(%arg10 : memref<100xf32, #tpu.memory_space<hbm>>) dst(%dma_wait3A_57 : memref<100xf32, #tpu.memory_space<vmem>>)
    %dma_wait3A_58 = arith.constant 0 : i32
    %dma_wait3A_59 = tpu.memref_slice %arg27[%dma_wait3A_58] : memref<112xi32, #tpu.memory_space<vmem>> -> memref<100xi32, #tpu.memory_space<vmem>>
    %dma_wait3A_60 = arith.constant 0 : i32
    %dma_wait3A_61 = tpu.memref_slice %arg27[%dma_wait3A_60] : memref<112xi32, #tpu.memory_space<vmem>> -> memref<100xi32, #tpu.memory_space<vmem>>
    tpu.wait_dma2 semaphore(%arg39 : memref<!tpu.dma_semaphore, #tpu.memory_space<semaphore_mem>>) src(%arg11 : memref<100xi32, #tpu.memory_space<hbm>>) dst(%dma_wait3A_61 : memref<100xi32, #tpu.memory_space<vmem>>)
    %iota3A = tpu.iota {dimensions = array<i32: 0>} : vector<16xi32>
    %get3A = arith.constant 0 : index
    %get3A_62 = tpu.vector_load %arg23[%get3A] {strides = array<i32>} : memref<112xf32, #tpu.memory_space<vmem>>, vector<16xf32>,
    %get3A_63 = arith.constant 0 : index
    %get3A_64 = tpu.vector_load %arg24[%get3A_63] {strides = array<i32>} : memref<112xf32, #tpu.memory_space<vmem>>, vector<16xf32>,
    %get3A_65 = arith.constant 0 : index
    %get3A_66 = tpu.vector_load %arg25[%get3A_65] {strides = array<i32>} : memref<112xf32, #tpu.memory_space<vmem>>, vector<16xf32>,
    %get3A_67 = arith.constant 0 : index
    %get3A_68 = tpu.vector_load %arg26[%get3A_67] {strides = array<i32>} : memref<112xf32, #tpu.memory_space<vmem>>, vector<16xf32>,
    %add3A_69 = arith.addf %get3A_62, %get3A_66 : vector<16xf32>
    %mul3A_70 = arith.constant 5.000000e-01 : f32
    %mul3A_71 = vector.broadcast %mul3A_70 : f32 to vector<16xf32>
    %mul3A_72 = arith.mulf %add3A_69, %mul3A_71 : vector<16xf32>
    %swap3A = arith.constant 0 : index
    %swap3A_73 = tpu.vector_load %arg28[%swap3A] {strides = array<i32>} : memref<112xf32, #tpu.memory_space<vmem>>, vector<16xf32>,
    tpu.vector_store %arg28[%swap3A], %mul3A_72 {strides = array<i32>} : memref<112xf32, #tpu.memory_space<vmem>>, vector<16xf32>,
    %add3A_74 = arith.addf %get3A_64, %get3A_68 : vector<16xf32>
    %mul3A_75 = arith.constant 5.000000e-01 : f32
    %mul3A_76 = vector.broadcast %mul3A_75 : f32 to vector<16xf32>
    %mul3A_77 = arith.mulf %add3A_74, %mul3A_76 : vector<16xf32>
    %swap3A_78 = arith.constant 0 : index
    %swap3A_79 = tpu.vector_load %arg29[%swap3A_78] {strides = array<i32>} : memref<112xf32, #tpu.memory_space<vmem>>, vector<16xf32>,
    tpu.vector_store %arg29[%swap3A_78], %mul3A_77 {strides = array<i32>} : memref<112xf32, #tpu.memory_space<vmem>>, vector<16xf32>,
    %sub3A = arith.subf %get3A_66, %get3A_62 : vector<16xf32>
    %sub3A_80 = arith.subf %get3A_68, %get3A_64 : vector<16xf32>
    %mul3A_81 = arith.mulf %sub3A, %sub3A_80 : vector<16xf32>
    %swap3A_82 = arith.constant 0 : index
    %swap3A_83 = tpu.vector_load %arg30[%swap3A_82] {strides = array<i32>} : memref<112xf32, #tpu.memory_space<vmem>>, vector<16xf32>,
    tpu.vector_store %arg30[%swap3A_82], %mul3A_81 {strides = array<i32>} : memref<112xf32, #tpu.memory_space<vmem>>, vector<16xf32>,
    %sub3A_84 = arith.subf %get3A_66, %get3A_62 : vector<16xf32>
    %sub3A_85 = arith.subf %get3A_68, %get3A_64 : vector<16xf32>
    %max3A = arith.maximumf %sub3A_84, %sub3A_85 : vector<16xf32>
    %swap3A_86 = arith.constant 0 : index
    %swap3A_87 = tpu.vector_load %arg31[%swap3A_86] {strides = array<i32>} : memref<112xf32, #tpu.memory_space<vmem>>, vector<16xf32>,
    tpu.vector_store %arg31[%swap3A_86], %max3A {strides = array<i32>} : memref<112xf32, #tpu.memory_space<vmem>>, vector<16xf32>,
    %get3A_88 = arith.constant 16 : index
    %get3A_89 = tpu.vector_load %arg23[%get3A_88] {strides = array<i32>} : memref<112xf32, #tpu.memory_space<vmem>>, vector<16xf32>,
    %get3A_90 = arith.constant 16 : index
    %get3A_91 = tpu.vector_load %arg24[%get3A_90] {strides = array<i32>} : memref<112xf32, #tpu.memory_space<vmem>>, vector<16xf32>,
    %get3A_92 = arith.constant 16 : index
    %get3A_93 = tpu.vector_load %arg25[%get3A_92] {strides = array<i32>} : memref<112xf32, #tpu.memory_space<vmem>>, vector<16xf32>,
    %get3A_94 = arith.constant 16 : index
    %get3A_95 = tpu.vector_load %arg26[%get3A_94] {strides = array<i32>} : memref<112xf32, #tpu.memory_space<vmem>>, vector<16xf32>,
    %add3A_96 = arith.addf %get3A_89, %get3A_93 : vector<16xf32>
    %mul3A_97 = arith.constant 5.000000e-01 : f32
    %mul3A_98 = vector.broadcast %mul3A_97 : f32 to vector<16xf32>
    %mul3A_99 = arith.mulf %add3A_96, %mul3A_98 : vector<16xf32>
    %swap3A_100 = arith.constant 16 : index
    %swap3A_101 = tpu.vector_load %arg28[%swap3A_100] {strides = array<i32>} : memref<112xf32, #tpu.memory_space<vmem>>, vector<16xf32>,
    tpu.vector_store %arg28[%swap3A_100], %mul3A_99 {strides = array<i32>} : memref<112xf32, #tpu.memory_space<vmem>>, vector<16xf32>,
    %add3A_102 = arith.addf %get3A_91, %get3A_95 : vector<16xf32>
    %mul3A_103 = arith.constant 5.000000e-01 : f32
    %mul3A_104 = vector.broadcast %mul3A_103 : f32 to vector<16xf32>
    %mul3A_105 = arith.mulf %add3A_102, %mul3A_104 : vector<16xf32>
    %swap3A_106 = arith.constant 16 : index
    %swap3A_107 = tpu.vector_load %arg29[%swap3A_106] {strides = array<i32>} : memref<112xf32, #tpu.memory_space<vmem>>, vector<16xf32>,
    tpu.vector_store %arg29[%swap3A_106], %mul3A_105 {strides = array<i32>} : memref<112xf32, #tpu.memory_space<vmem>>, vector<16xf32>,
    %sub3A_108 = arith.subf %get3A_93, %get3A_89 : vector<16xf32>
    %sub3A_109 = arith.subf %get3A_95, %get3A_91 : vector<16xf32>
    %mul3A_110 = arith.mulf %sub3A_108, %sub3A_109 : vector<16xf32>
    %swap3A_111 = arith.constant 16 : index
    %swap3A_112 = tpu.vector_load %arg30[%swap3A_111] {strides = array<i32>} : memref<112xf32, #tpu.memory_space<vmem>>, vector<16xf32>,
    tpu.vector_store %arg30[%swap3A_111], %mul3A_110 {strides = array<i32>} : memref<112xf32, #tpu.memory_space<vmem>>, vector<16xf32>,
    %sub3A_113 = arith.subf %get3A_93, %get3A_89 : vector<16xf32>
    %sub3A_114 = arith.subf %get3A_95, %get3A_91 : vector<16xf32>
    %max3A_115 = arith.maximumf %sub3A_113, %sub3A_114 : vector<16xf32>
    %swap3A_116 = arith.constant 16 : index
    %swap3A_117 = tpu.vector_load %arg31[%swap3A_116] {strides = array<i32>} : memref<112xf32, #tpu.memory_space<vmem>>, vector<16xf32>,
    tpu.vector_store %arg31[%swap3A_116], %max3A_115 {strides = array<i32>} : memref<112xf32, #tpu.memory_space<vmem>>, vector<16xf32>,
    %get3A_118 = arith.constant 32 : index
    %get3A_119 = tpu.vector_load %arg23[%get3A_118] {strides = array<i32>} : memref<112xf32, #tpu.memory_space<vmem>>, vector<16xf32>,
    %get3A_120 = arith.constant 32 : index
    %get3A_121 = tpu.vector_load %arg24[%get3A_120] {strides = array<i32>} : memref<112xf32, #tpu.memory_space<vmem>>, vector<16xf32>,
    %get3A_122 = arith.constant 32 : index
    %get3A_123 = tpu.vector_load %arg25[%get3A_122] {strides = array<i32>} : memref<112xf32, #tpu.memory_space<vmem>>, vector<16xf32>,
    %get3A_124 = arith.constant 32 : index
    %get3A_125 = tpu.vector_load %arg26[%get3A_124] {strides = array<i32>} : memref<112xf32, #tpu.memory_space<vmem>>, vector<16xf32>,
    %add3A_126 = arith.addf %get3A_119, %get3A_123 : vector<16xf32>
    %mul3A_127 = arith.constant 5.000000e-01 : f32
    %mul3A_128 = vector.broadcast %mul3A_127 : f32 to vector<16xf32>
    %mul3A_129 = arith.mulf %add3A_126, %mul3A_128 : vector<16xf32>
    %swap3A_130 = arith.constant 32 : index
    %swap3A_131 = tpu.vector_load %arg28[%swap3A_130] {strides = array<i32>} : memref<112xf32, #tpu.memory_space<vmem>>, vector<16xf32>,
    tpu.vector_store %arg28[%swap3A_130], %mul3A_129 {strides = array<i32>} : memref<112xf32, #tpu.memory_space<vmem>>, vector<16xf32>,
    %add3A_132 = arith.addf %get3A_121, %get3A_125 : vector<16xf32>
    %mul3A_133 = arith.constant 5.000000e-01 : f32
    %mul3A_134 = vector.broadcast %mul3A_133 : f32 to vector<16xf32>
    %mul3A_135 = arith.mulf %add3A_132, %mul3A_134 : vector<16xf32>
    %swap3A_136 = arith.constant 32 : index
    %swap3A_137 = tpu.vector_load %arg29[%swap3A_136] {strides = array<i32>} : memref<112xf32, #tpu.memory_space<vmem>>, vector<16xf32>,
    tpu.vector_store %arg29[%swap3A_136], %mul3A_135 {strides = array<i32>} : memref<112xf32, #tpu.memory_space<vmem>>, vector<16xf32>,
    %sub3A_138 = arith.subf %get3A_123, %get3A_119 : vector<16xf32>
    %sub3A_139 = arith.subf %get3A_125, %get3A_121 : vector<16xf32>
    %mul3A_140 = arith.mulf %sub3A_138, %sub3A_139 : vector<16xf32>
    %swap3A_141 = arith.constant 32 : index
    %swap3A_142 = tpu.vector_load %arg30[%swap3A_141] {strides = array<i32>} : memref<112xf32, #tpu.memory_space<vmem>>, vector<16xf32>,
    tpu.vector_store %arg30[%swap3A_141], %mul3A_140 {strides = array<i32>} : memref<112xf32, #tpu.memory_space<vmem>>, vector<16xf32>,
    %sub3A_143 = arith.subf %get3A_123, %get3A_119 : vector<16xf32>
    %sub3A_144 = arith.subf %get3A_125, %get3A_121 : vector<16xf32>
    %max3A_145 = arith.maximumf %sub3A_143, %sub3A_144 : vector<16xf32>
    %swap3A_146 = arith.constant 32 : index
    %swap3A_147 = tpu.vector_load %arg31[%swap3A_146] {strides = array<i32>} : memref<112xf32, #tpu.memory_space<vmem>>, vector<16xf32>,
    tpu.vector_store %arg31[%swap3A_146], %max3A_145 {strides = array<i32>} : memref<112xf32, #tpu.memory_space<vmem>>, vector<16xf32>,
    %get3A_148 = arith.constant 48 : index
    %get3A_149 = tpu.vector_load %arg23[%get3A_148] {strides = array<i32>} : memref<112xf32, #tpu.memory_space<vmem>>, vector<16xf32>,
    %get3A_150 = arith.constant 48 : index
    %get3A_151 = tpu.vector_load %arg24[%get3A_150] {strides = array<i32>} : memref<112xf32, #tpu.memory_space<vmem>>, vector<16xf32>,
    %get3A_152 = arith.constant 48 : index
    %get3A_153 = tpu.vector_load %arg25[%get3A_152] {strides = array<i32>} : memref<112xf32, #tpu.memory_space<vmem>>, vector<16xf32>,
    %get3A_154 = arith.constant 48 : index
    %get3A_155 = tpu.vector_load %arg26[%get3A_154] {strides = array<i32>} : memref<112xf32, #tpu.memory_space<vmem>>, vector<16xf32>,
    %add3A_156 = arith.addf %get3A_149, %get3A_153 : vector<16xf32>
    %mul3A_157 = arith.constant 5.000000e-01 : f32
    %mul3A_158 = vector.broadcast %mul3A_157 : f32 to vector<16xf32>
    %mul3A_159 = arith.mulf %add3A_156, %mul3A_158 : vector<16xf32>
    %swap3A_160 = arith.constant 48 : index
    %swap3A_161 = tpu.vector_load %arg28[%swap3A_160] {strides = array<i32>} : memref<112xf32, #tpu.memory_space<vmem>>, vector<16xf32>,
    tpu.vector_store %arg28[%swap3A_160], %mul3A_159 {strides = array<i32>} : memref<112xf32, #tpu.memory_space<vmem>>, vector<16xf32>,
    %add3A_162 = arith.addf %get3A_151, %get3A_155 : vector<16xf32>
    %mul3A_163 = arith.constant 5.000000e-01 : f32
    %mul3A_164 = vector.broadcast %mul3A_163 : f32 to vector<16xf32>
    %mul3A_165 = arith.mulf %add3A_162, %mul3A_164 : vector<16xf32>
    %swap3A_166 = arith.constant 48 : index
    %swap3A_167 = tpu.vector_load %arg29[%swap3A_166] {strides = array<i32>} : memref<112xf32, #tpu.memory_space<vmem>>, vector<16xf32>,
    tpu.vector_store %arg29[%swap3A_166], %mul3A_165 {strides = array<i32>} : memref<112xf32, #tpu.memory_space<vmem>>, vector<16xf32>,
    %sub3A_168 = arith.subf %get3A_153, %get3A_149 : vector<16xf32>
    %sub3A_169 = arith.subf %get3A_155, %get3A_151 : vector<16xf32>
    %mul3A_170 = arith.mulf %sub3A_168, %sub3A_169 : vector<16xf32>
    %swap3A_171 = arith.constant 48 : index
    %swap3A_172 = tpu.vector_load %arg30[%swap3A_171] {strides = array<i32>} : memref<112xf32, #tpu.memory_space<vmem>>, vector<16xf32>,
    tpu.vector_store %arg30[%swap3A_171], %mul3A_170 {strides = array<i32>} : memref<112xf32, #tpu.memory_space<vmem>>, vector<16xf32>,
    %sub3A_173 = arith.subf %get3A_153, %get3A_149 : vector<16xf32>
    %sub3A_174 = arith.subf %get3A_155, %get3A_151 : vector<16xf32>
    %max3A_175 = arith.maximumf %sub3A_173, %sub3A_174 : vector<16xf32>
    %swap3A_176 = arith.constant 48 : index
    %swap3A_177 = tpu.vector_load %arg31[%swap3A_176] {strides = array<i32>} : memref<112xf32, #tpu.memory_space<vmem>>, vector<16xf32>,
    tpu.vector_store %arg31[%swap3A_176], %max3A_175 {strides = array<i32>} : memref<112xf32, #tpu.memory_space<vmem>>, vector<16xf32>,
    %get3A_178 = arith.constant 64 : index
    %get3A_179 = tpu.vector_load %arg23[%get3A_178] {strides = array<i32>} : memref<112xf32, #tpu.memory_space<vmem>>, vector<16xf32>,
    %get3A_180 = arith.constant 64 : index
    %get3A_181 = tpu.vector_load %arg24[%get3A_180] {strides = array<i32>} : memref<112xf32, #tpu.memory_space<vmem>>, vector<16xf32>,
    %get3A_182 = arith.constant 64 : index
    %get3A_183 = tpu.vector_load %arg25[%get3A_182] {strides = array<i32>} : memref<112xf32, #tpu.memory_space<vmem>>, vector<16xf32>,
    %get3A_184 = arith.constant 64 : index
    %get3A_185 = tpu.vector_load %arg26[%get3A_184] {strides = array<i32>} : memref<112xf32, #tpu.memory_space<vmem>>, vector<16xf32>,
    %add3A_186 = arith.addf %get3A_179, %get3A_183 : vector<16xf32>
    %mul3A_187 = arith.constant 5.000000e-01 : f32
    %mul3A_188 = vector.broadcast %mul3A_187 : f32 to vector<16xf32>
    %mul3A_189 = arith.mulf %add3A_186, %mul3A_188 : vector<16xf32>
    %swap3A_190 = arith.constant 64 : index
    %swap3A_191 = tpu.vector_load %arg28[%swap3A_190] {strides = array<i32>} : memref<112xf32, #tpu.memory_space<vmem>>, vector<16xf32>,
    tpu.vector_store %arg28[%swap3A_190], %mul3A_189 {strides = array<i32>} : memref<112xf32, #tpu.memory_space<vmem>>, vector<16xf32>,
    %add3A_192 = arith.addf %get3A_181, %get3A_185 : vector<16xf32>
    %mul3A_193 = arith.constant 5.000000e-01 : f32
    %mul3A_194 = vector.broadcast %mul3A_193 : f32 to vector<16xf32>
    %mul3A_195 = arith.mulf %add3A_192, %mul3A_194 : vector<16xf32>
    %swap3A_196 = arith.constant 64 : index
    %swap3A_197 = tpu.vector_load %arg29[%swap3A_196] {strides = array<i32>} : memref<112xf32, #tpu.memory_space<vmem>>, vector<16xf32>,
    tpu.vector_store %arg29[%swap3A_196], %mul3A_195 {strides = array<i32>} : memref<112xf32, #tpu.memory_space<vmem>>, vector<16xf32>,
    %sub3A_198 = arith.subf %get3A_183, %get3A_179 : vector<16xf32>
    %sub3A_199 = arith.subf %get3A_185, %get3A_181 : vector<16xf32>
    %mul3A_200 = arith.mulf %sub3A_198, %sub3A_199 : vector<16xf32>
    %swap3A_201 = arith.constant 64 : index
    %swap3A_202 = tpu.vector_load %arg30[%swap3A_201] {strides = array<i32>} : memref<112xf32, #tpu.memory_space<vmem>>, vector<16xf32>,
    tpu.vector_store %arg30[%swap3A_201], %mul3A_200 {strides = array<i32>} : memref<112xf32, #tpu.memory_space<vmem>>, vector<16xf32>,
    %sub3A_203 = arith.subf %get3A_183, %get3A_179 : vector<16xf32>
    %sub3A_204 = arith.subf %get3A_185, %get3A_181 : vector<16xf32>
    %max3A_205 = arith.maximumf %sub3A_203, %sub3A_204 : vector<16xf32>
    %swap3A_206 = arith.constant 64 : index
    %swap3A_207 = tpu.vector_load %arg31[%swap3A_206] {strides = array<i32>} : memref<112xf32, #tpu.memory_space<vmem>>, vector<16xf32>,
    tpu.vector_store %arg31[%swap3A_206], %max3A_205 {strides = array<i32>} : memref<112xf32, #tpu.memory_space<vmem>>, vector<16xf32>,
    %get3A_208 = arith.constant 80 : index
    %get3A_209 = tpu.vector_load %arg23[%get3A_208] {strides = array<i32>} : memref<112xf32, #tpu.memory_space<vmem>>, vector<16xf32>,
    %get3A_210 = arith.constant 80 : index
    %get3A_211 = tpu.vector_load %arg24[%get3A_210] {strides = array<i32>} : memref<112xf32, #tpu.memory_space<vmem>>, vector<16xf32>,
    %get3A_212 = arith.constant 80 : index
    %get3A_213 = tpu.vector_load %arg25[%get3A_212] {strides = array<i32>} : memref<112xf32, #tpu.memory_space<vmem>>, vector<16xf32>,
    %get3A_214 = arith.constant 80 : index
    %get3A_215 = tpu.vector_load %arg26[%get3A_214] {strides = array<i32>} : memref<112xf32, #tpu.memory_space<vmem>>, vector<16xf32>,
    %add3A_216 = arith.addf %get3A_209, %get3A_213 : vector<16xf32>
    %mul3A_217 = arith.constant 5.000000e-01 : f32
    %mul3A_218 = vector.broadcast %mul3A_217 : f32 to vector<16xf32>
    %mul3A_219 = arith.mulf %add3A_216, %mul3A_218 : vector<16xf32>
    %swap3A_220 = arith.constant 80 : index
    %swap3A_221 = tpu.vector_load %arg28[%swap3A_220] {strides = array<i32>} : memref<112xf32, #tpu.memory_space<vmem>>, vector<16xf32>,
    tpu.vector_store %arg28[%swap3A_220], %mul3A_219 {strides = array<i32>} : memref<112xf32, #tpu.memory_space<vmem>>, vector<16xf32>,
    %add3A_222 = arith.addf %get3A_211, %get3A_215 : vector<16xf32>
    %mul3A_223 = arith.constant 5.000000e-01 : f32
    %mul3A_224 = vector.broadcast %mul3A_223 : f32 to vector<16xf32>
    %mul3A_225 = arith.mulf %add3A_222, %mul3A_224 : vector<16xf32>
    %swap3A_226 = arith.constant 80 : index
    %swap3A_227 = tpu.vector_load %arg29[%swap3A_226] {strides = array<i32>} : memref<112xf32, #tpu.memory_space<vmem>>, vector<16xf32>,
    tpu.vector_store %arg29[%swap3A_226], %mul3A_225 {strides = array<i32>} : memref<112xf32, #tpu.memory_space<vmem>>, vector<16xf32>,
    %sub3A_228 = arith.subf %get3A_213, %get3A_209 : vector<16xf32>
    %sub3A_229 = arith.subf %get3A_215, %get3A_211 : vector<16xf32>
    %mul3A_230 = arith.mulf %sub3A_228, %sub3A_229 : vector<16xf32>
    %swap3A_231 = arith.constant 80 : index
    %swap3A_232 = tpu.vector_load %arg30[%swap3A_231] {strides = array<i32>} : memref<112xf32, #tpu.memory_space<vmem>>, vector<16xf32>,
    tpu.vector_store %arg30[%swap3A_231], %mul3A_230 {strides = array<i32>} : memref<112xf32, #tpu.memory_space<vmem>>, vector<16xf32>,
    %sub3A_233 = arith.subf %get3A_213, %get3A_209 : vector<16xf32>
    %sub3A_234 = arith.subf %get3A_215, %get3A_211 : vector<16xf32>
    %max3A_235 = arith.maximumf %sub3A_233, %sub3A_234 : vector<16xf32>
    %swap3A_236 = arith.constant 80 : index
    %swap3A_237 = tpu.vector_load %arg31[%swap3A_236] {strides = array<i32>} : memref<112xf32, #tpu.memory_space<vmem>>, vector<16xf32>,
    tpu.vector_store %arg31[%swap3A_236], %max3A_235 {strides = array<i32>} : memref<112xf32, #tpu.memory_space<vmem>>, vector<16xf32>,
    %get3A_238 = arith.constant 96 : index
    %get3A_239 = tpu.vector_load %arg23[%get3A_238] {strides = array<i32>} : memref<112xf32, #tpu.memory_space<vmem>>, vector<16xf32>,
    %get3A_240 = arith.constant 96 : index
    %get3A_241 = tpu.vector_load %arg24[%get3A_240] {strides = array<i32>} : memref<112xf32, #tpu.memory_space<vmem>>, vector<16xf32>,
    %get3A_242 = arith.constant 96 : index
    %get3A_243 = tpu.vector_load %arg25[%get3A_242] {strides = array<i32>} : memref<112xf32, #tpu.memory_space<vmem>>, vector<16xf32>,
    %get3A_244 = arith.constant 96 : index
    %get3A_245 = tpu.vector_load %arg26[%get3A_244] {strides = array<i32>} : memref<112xf32, #tpu.memory_space<vmem>>, vector<16xf32>,
    %add3A_246 = arith.addf %get3A_239, %get3A_243 : vector<16xf32>
    %mul3A_247 = arith.constant 5.000000e-01 : f32
    %mul3A_248 = vector.broadcast %mul3A_247 : f32 to vector<16xf32>
    %mul3A_249 = arith.mulf %add3A_246, %mul3A_248 : vector<16xf32>
    %swap3A_250 = arith.constant 96 : index
    %swap3A_251 = tpu.vector_load %arg28[%swap3A_250] {strides = array<i32>} : memref<112xf32, #tpu.memory_space<vmem>>, vector<16xf32>,
    tpu.vector_store %arg28[%swap3A_250], %mul3A_249 {strides = array<i32>} : memref<112xf32, #tpu.memory_space<vmem>>, vector<16xf32>,
    %add3A_252 = arith.addf %get3A_241, %get3A_245 : vector<16xf32>
    %mul3A_253 = arith.constant 5.000000e-01 : f32
    %mul3A_254 = vector.broadcast %mul3A_253 : f32 to vector<16xf32>
    %mul3A_255 = arith.mulf %add3A_252, %mul3A_254 : vector<16xf32>
    %swap3A_256 = arith.constant 96 : index
    %swap3A_257 = tpu.vector_load %arg29[%swap3A_256] {strides = array<i32>} : memref<112xf32, #tpu.memory_space<vmem>>, vector<16xf32>,
    tpu.vector_store %arg29[%swap3A_256], %mul3A_255 {strides = array<i32>} : memref<112xf32, #tpu.memory_space<vmem>>, vector<16xf32>,
    %sub3A_258 = arith.subf %get3A_243, %get3A_239 : vector<16xf32>
    %sub3A_259 = arith.subf %get3A_245, %get3A_241 : vector<16xf32>
    %mul3A_260 = arith.mulf %sub3A_258, %sub3A_259 : vector<16xf32>
    %swap3A_261 = arith.constant 96 : index
    %swap3A_262 = tpu.vector_load %arg30[%swap3A_261] {strides = array<i32>} : memref<112xf32, #tpu.memory_space<vmem>>, vector<16xf32>,
    tpu.vector_store %arg30[%swap3A_261], %mul3A_260 {strides = array<i32>} : memref<112xf32, #tpu.memory_space<vmem>>, vector<16xf32>,
    %sub3A_263 = arith.subf %get3A_243, %get3A_239 : vector<16xf32>
    %sub3A_264 = arith.subf %get3A_245, %get3A_241 : vector<16xf32>
    %max3A_265 = arith.maximumf %sub3A_263, %sub3A_264 : vector<16xf32>
    %swap3A_266 = arith.constant 96 : index
    %swap3A_267 = tpu.vector_load %arg31[%swap3A_266] {strides = array<i32>} : memref<112xf32, #tpu.memory_space<vmem>>, vector<16xf32>,
    tpu.vector_store %arg31[%swap3A_266], %max3A_265 {strides = array<i32>} : memref<112xf32, #tpu.memory_space<vmem>>, vector<16xf32>,
    %scan3A = arith.constant 0 : i32
    %scan3A_268 = arith.constant 0 : i32
    %scan3A_269 = arith.constant 43 : i32
    %scan3A_270 = arith.addi %scan3A_268, %scan3A_269 : i32
    %scan3A_271 = arith.constant 1 : i32
    scf.for %scan3A_297 = %scan3A_268 to %scan3A_270 step %scan3A_271  : i32 {
      %mul3A_298 = arith.constant 16 : i32
      %mul3A_299 = arith.muli %scan3A_297, %mul3A_298 : i32
      %get3A_300 = arith.index_cast %mul3A_299 : i32 to index
      %get3A_301 = tpu.vector_load %arg18[%get3A_300] {strides = array<i32>} : memref<688xf32, #tpu.memory_space<vmem>>, vector<16xf32>,
      %get3A_302 = arith.index_cast %mul3A_299 : i32 to index
      %get3A_303 = tpu.vector_load %arg19[%get3A_302] {strides = array<i32>} : memref<688xf32, #tpu.memory_space<vmem>>, vector<16xf32>,
      %get3A_304 = arith.index_cast %mul3A_299 : i32 to index
      %get3A_305 = tpu.vector_load %arg21[%get3A_304] {strides = array<i32>} : memref<688xf32, #tpu.memory_space<vmem>>, vector<16xf32>,
      %get3A_306 = arith.index_cast %mul3A_299 : i32 to index
      %get3A_307 = tpu.vector_load %arg22[%get3A_306] {strides = array<i32>} : memref<688xf32, #tpu.memory_space<vmem>>, vector<16xf32>,
      %get3A_308 = arith.index_cast %mul3A_299 : i32 to index
      %get3A_309 = tpu.vector_load %arg20[%get3A_308] {strides = array<i32>} : memref<688xf32, #tpu.memory_space<vmem>>, vector<16xf32>,
      %mul3A_310 = arith.constant 1.500000e+00 : f32
      %mul3A_311 = vector.broadcast %mul3A_310 : f32 to vector<16xf32>
      %mul3A_312 = arith.mulf %get3A_309, %mul3A_311 : vector<16xf32>
      %reduce_min3A = arith.constant true
      %reduce_min3A_313 = vector.broadcast %reduce_min3A : i1 to vector<16xi1>
      %reduce_min3A_314 = tpu.scan <min>, %get3A_301 masked %reduce_min3A_313 : vector<16xf32>, vector<16xi1> -> vector<16xf32>
      %reduce_min3A_315 = vector.extract %reduce_min3A_314[15] : f32 from vector<16xf32>
      %reduce_max3A = arith.constant true
      %reduce_max3A_316 = vector.broadcast %reduce_max3A : i1 to vector<16xi1>
      %reduce_max3A_317 = tpu.scan <max>, %get3A_301 masked %reduce_max3A_316 : vector<16xf32>, vector<16xi1> -> vector<16xf32>
      %reduce_max3A_318 = vector.extract %reduce_max3A_317[15] : f32 from vector<16xf32>
      %reduce_min3A_319 = arith.constant true
      %reduce_min3A_320 = vector.broadcast %reduce_min3A_319 : i1 to vector<16xi1>
      %reduce_min3A_321 = tpu.scan <min>, %get3A_303 masked %reduce_min3A_320 : vector<16xf32>, vector<16xi1> -> vector<16xf32>
      %reduce_min3A_322 = vector.extract %reduce_min3A_321[15] : f32 from vector<16xf32>
      %reduce_max3A_323 = arith.constant true
      %reduce_max3A_324 = vector.broadcast %reduce_max3A_323 : i1 to vector<16xi1>
      %reduce_max3A_325 = tpu.scan <max>, %get3A_303 masked %reduce_max3A_324 : vector<16xf32>, vector<16xi1> -> vector<16xf32>
      %reduce_max3A_326 = vector.extract %reduce_max3A_325[15] : f32 from vector<16xf32>
      %reduce_max3A_327 = arith.constant true
      %reduce_max3A_328 = vector.broadcast %reduce_max3A_327 : i1 to vector<16xi1>
      %reduce_max3A_329 = tpu.scan <max>, %mul3A_312 masked %reduce_max3A_328 : vector<16xf32>, vector<16xi1> -> vector<16xf32>
      %reduce_max3A_330 = vector.extract %reduce_max3A_329[15] : f32 from vector<16xf32>
      %reduce_min3A_331 = arith.constant true
      %reduce_min3A_332 = vector.broadcast %reduce_min3A_331 : i1 to vector<16xi1>
      %reduce_min3A_333 = tpu.scan <min>, %get3A_305 masked %reduce_min3A_332 : vector<16xf32>, vector<16xi1> -> vector<16xf32>
      %reduce_min3A_334 = vector.extract %reduce_min3A_333[15] : f32 from vector<16xf32>
      %reduce_max3A_335 = arith.constant true
      %reduce_max3A_336 = vector.broadcast %reduce_max3A_335 : i1 to vector<16xi1>
      %reduce_max3A_337 = tpu.scan <max>, %get3A_307 masked %reduce_max3A_336 : vector<16xf32>, vector<16xi1> -> vector<16xf32>
      %reduce_max3A_338 = vector.extract %reduce_max3A_337[15] : f32 from vector<16xf32>
      %mul3A_339 = arith.constant 2.000000e+00 : f32
      %mul3A_340 = arith.mulf %reduce_max3A_338, %mul3A_339 : f32
      %add3A_341 = arith.constant 0 : i32
      %add3A_342 = vector.broadcast %add3A_341 : i32 to vector<16xi32>
      %add3A_343 = arith.addi %iota3A, %add3A_342 : vector<16xi32>
      %get3A_344 = arith.constant 0 : index
      %get3A_345 = tpu.vector_load %arg23[%get3A_344] {strides = array<i32>} : memref<112xf32, #tpu.memory_space<vmem>>, vector<16xf32>,
      %get3A_346 = arith.constant 0 : index
      %get3A_347 = tpu.vector_load %arg24[%get3A_346] {strides = array<i32>} : memref<112xf32, #tpu.memory_space<vmem>>, vector<16xf32>,
      %get3A_348 = arith.constant 0 : index
      %get3A_349 = tpu.vector_load %arg25[%get3A_348] {strides = array<i32>} : memref<112xf32, #tpu.memory_space<vmem>>, vector<16xf32>,
      %get3A_350 = arith.constant 0 : index
      %get3A_351 = tpu.vector_load %arg26[%get3A_350] {strides = array<i32>} : memref<112xf32, #tpu.memory_space<vmem>>, vector<16xf32>,
      %get3A_352 = arith.constant 0 : index
      %get3A_353 = tpu.vector_load %arg28[%get3A_352] {strides = array<i32>} : memref<112xf32, #tpu.memory_space<vmem>>, vector<16xf32>,
      %get3A_354 = arith.constant 0 : index
      %get3A_355 = tpu.vector_load %arg29[%get3A_354] {strides = array<i32>} : memref<112xf32, #tpu.memory_space<vmem>>, vector<16xf32>,
      %get3A_356 = arith.constant 0 : index
      %get3A_357 = tpu.vector_load %arg31[%get3A_356] {strides = array<i32>} : memref<112xf32, #tpu.memory_space<vmem>>, vector<16xf32>,
      %sub3A_358 = vector.broadcast %reduce_max3A_330 : f32 to vector<16xf32>
      %sub3A_359 = arith.subf %get3A_353, %sub3A_358 : vector<16xf32>
      %max3A_360 = arith.maximumf %sub3A_359, %get3A_345 : vector<16xf32>
      %add3A_361 = vector.broadcast %reduce_max3A_330 : f32 to vector<16xf32>
      %add3A_362 = arith.addf %get3A_353, %add3A_361 : vector<16xf32>
      %min3A_363 = arith.minimumf %add3A_362, %get3A_349 : vector<16xf32>
      %sub3A_364 = vector.broadcast %reduce_max3A_330 : f32 to vector<16xf32>
      %sub3A_365 = arith.subf %get3A_355, %sub3A_364 : vector<16xf32>
      %max3A_366 = arith.maximumf %sub3A_365, %get3A_347 : vector<16xf32>
      %add3A_367 = vector.broadcast %reduce_max3A_330 : f32 to vector<16xf32>
      %add3A_368 = arith.addf %get3A_355, %add3A_367 : vector<16xf32>
      %min3A_369 = arith.minimumf %add3A_368, %get3A_351 : vector<16xf32>
      %lt3A = vector.broadcast %reduce_max3A_318 : f32 to vector<16xf32>
      %lt3A_370 = arith.cmpf olt, %max3A_360, %lt3A : vector<16xf32>
      %gt3A = vector.broadcast %reduce_min3A_315 : f32 to vector<16xf32>
      %gt3A_371 = arith.cmpf ogt, %min3A_363, %gt3A : vector<16xf32>
      %and3A = arith.andi %lt3A_370, %gt3A_371 : vector<16xi1>
      %lt3A_372 = vector.broadcast %reduce_max3A_326 : f32 to vector<16xf32>
      %lt3A_373 = arith.cmpf olt, %max3A_366, %lt3A_372 : vector<16xf32>
      %and3A_374 = arith.andi %and3A, %lt3A_373 : vector<16xi1>
      %gt3A_375 = vector.broadcast %reduce_min3A_322 : f32 to vector<16xf32>
      %gt3A_376 = arith.cmpf ogt, %min3A_369, %gt3A_375 : vector<16xf32>
      %and3A_377 = arith.andi %and3A_374, %gt3A_376 : vector<16xi1>
      %ge3A = vector.broadcast %reduce_min3A_334 : f32 to vector<16xf32>
      %ge3A_378 = arith.cmpf oge, %get3A_357, %ge3A : vector<16xf32>
      %le3A = vector.broadcast %mul3A_340 : f32 to vector<16xf32>
      %le3A_379 = arith.cmpf ole, %get3A_357, %le3A : vector<16xf32>
      %and3A_380 = arith.andi %ge3A_378, %le3A_379 : vector<16xi1>
      %and3A_381 = arith.andi %and3A_377, %and3A_380 : vector<16xi1>
      %lt3A_382 = arith.constant 100 : i32
      %lt3A_383 = vector.broadcast %lt3A_382 : i32 to vector<16xi32>
      %lt3A_384 = arith.cmpi slt, %add3A_343, %lt3A_383 : vector<16xi32>
      %and3A_385 = arith.andi %and3A_381, %lt3A_384 : vector<16xi1>
      %swap3A_386 = arith.constant 0 : i32
      %swap3A_387 = arith.index_cast %swap3A_386 : i32 to index
      %swap3A_388 = tpu.vector_load %arg32[%swap3A_387] masked %and3A_385 {strides = array<i32>} : memref<128xi32, #tpu.memory_space<vmem>>, vector<16xi32>, vector<16xi1>
      tpu.vector_store %arg32[%swap3A_387], %add3A_343 masked %and3A_385 {strides = array<i32>} : memref<128xi32, #tpu.memory_space<vmem>>, vector<16xi32>, vector<16xi1>
      %convert_element_type3A = arith.extui %and3A_385 : vector<16xi1> to vector<16xi32>
      %reduce_sum3A = arith.constant true
      %reduce_sum3A_389 = vector.broadcast %reduce_sum3A : i1 to vector<16xi1>
      %reduce_sum3A_390 = tpu.scan <sum>, %convert_element_type3A masked %reduce_sum3A_389 : vector<16xi32>, vector<16xi1> -> vector<16xi32>
      %reduce_sum3A_391 = vector.extract %reduce_sum3A_390[15] : i32 from vector<16xi32>
      %add3A_392 = arith.constant 0 : i32
      %add3A_393 = arith.addi %add3A_392, %reduce_sum3A_391 : i32
      %add3A_394 = arith.constant 16 : i32
      %add3A_395 = vector.broadcast %add3A_394 : i32 to vector<16xi32>
      %add3A_396 = arith.addi %iota3A, %add3A_395 : vector<16xi32>
      %get3A_397 = arith.constant 16 : index
      %get3A_398 = tpu.vector_load %arg23[%get3A_397] {strides = array<i32>} : memref<112xf32, #tpu.memory_space<vmem>>, vector<16xf32>,
      %get3A_399 = arith.constant 16 : index
      %get3A_400 = tpu.vector_load %arg24[%get3A_399] {strides = array<i32>} : memref<112xf32, #tpu.memory_space<vmem>>, vector<16xf32>,
      %get3A_401 = arith.constant 16 : index
      %get3A_402 = tpu.vector_load %arg25[%get3A_401] {strides = array<i32>} : memref<112xf32, #tpu.memory_space<vmem>>, vector<16xf32>,
      %get3A_403 = arith.constant 16 : index
      %get3A_404 = tpu.vector_load %arg26[%get3A_403] {strides = array<i32>} : memref<112xf32, #tpu.memory_space<vmem>>, vector<16xf32>,
      %get3A_405 = arith.constant 16 : index
      %get3A_406 = tpu.vector_load %arg28[%get3A_405] {strides = array<i32>} : memref<112xf32, #tpu.memory_space<vmem>>, vector<16xf32>,
      %get3A_407 = arith.constant 16 : index
      %get3A_408 = tpu.vector_load %arg29[%get3A_407] {strides = array<i32>} : memref<112xf32, #tpu.memory_space<vmem>>, vector<16xf32>,
      %get3A_409 = arith.constant 16 : index
      %get3A_410 = tpu.vector_load %arg31[%get3A_409] {strides = array<i32>} : memref<112xf32, #tpu.memory_space<vmem>>, vector<16xf32>,
      %sub3A_411 = vector.broadcast %reduce_max3A_330 : f32 to vector<16xf32>
      %sub3A_412 = arith.subf %get3A_406, %sub3A_411 : vector<16xf32>
      %max3A_413 = arith.maximumf %sub3A_412, %get3A_398 : vector<16xf32>
      %add3A_414 = vector.broadcast %reduce_max3A_330 : f32 to vector<16xf32>
      %add3A_415 = arith.addf %get3A_406, %add3A_414 : vector<16xf32>
      %min3A_416 = arith.minimumf %add3A_415, %get3A_402 : vector<16xf32>
      %sub3A_417 = vector.broadcast %reduce_max3A_330 : f32 to vector<16xf32>
      %sub3A_418 = arith.subf %get3A_408, %sub3A_417 : vector<16xf32>
      %max3A_419 = arith.maximumf %sub3A_418, %get3A_400 : vector<16xf32>
      %add3A_420 = vector.broadcast %reduce_max3A_330 : f32 to vector<16xf32>
      %add3A_421 = arith.addf %get3A_408, %add3A_420 : vector<16xf32>
      %min3A_422 = arith.minimumf %add3A_421, %get3A_404 : vector<16xf32>
      %lt3A_423 = vector.broadcast %reduce_max3A_318 : f32 to vector<16xf32>
      %lt3A_424 = arith.cmpf olt, %max3A_413, %lt3A_423 : vector<16xf32>
      %gt3A_425 = vector.broadcast %reduce_min3A_315 : f32 to vector<16xf32>
      %gt3A_426 = arith.cmpf ogt, %min3A_416, %gt3A_425 : vector<16xf32>
      %and3A_427 = arith.andi %lt3A_424, %gt3A_426 : vector<16xi1>
      %lt3A_428 = vector.broadcast %reduce_max3A_326 : f32 to vector<16xf32>
      %lt3A_429 = arith.cmpf olt, %max3A_419, %lt3A_428 : vector<16xf32>
      %and3A_430 = arith.andi %and3A_427, %lt3A_429 : vector<16xi1>
      %gt3A_431 = vector.broadcast %reduce_min3A_322 : f32 to vector<16xf32>
      %gt3A_432 = arith.cmpf ogt, %min3A_422, %gt3A_431 : vector<16xf32>
      %and3A_433 = arith.andi %and3A_430, %gt3A_432 : vector<16xi1>
      %ge3A_434 = vector.broadcast %reduce_min3A_334 : f32 to vector<16xf32>
      %ge3A_435 = arith.cmpf oge, %get3A_410, %ge3A_434 : vector<16xf32>
      %le3A_436 = vector.broadcast %mul3A_340 : f32 to vector<16xf32>
      %le3A_437 = arith.cmpf ole, %get3A_410, %le3A_436 : vector<16xf32>
      %and3A_438 = arith.andi %ge3A_435, %le3A_437 : vector<16xi1>
      %and3A_439 = arith.andi %and3A_433, %and3A_438 : vector<16xi1>
      %lt3A_440 = arith.constant 100 : i32
      %lt3A_441 = vector.broadcast %lt3A_440 : i32 to vector<16xi32>
      %lt3A_442 = arith.cmpi slt, %add3A_396, %lt3A_441 : vector<16xi32>
      %and3A_443 = arith.andi %and3A_439, %lt3A_442 : vector<16xi1>
      %swap3A_444 = arith.index_cast %add3A_393 : i32 to index
      %swap3A_445 = tpu.vector_load %arg32[%swap3A_444] masked %and3A_443 {strides = array<i32>} : memref<128xi32, #tpu.memory_space<vmem>>, vector<16xi32>, vector<16xi1>
      tpu.vector_store %arg32[%swap3A_444], %add3A_396 masked %and3A_443 {strides = array<i32>} : memref<128xi32, #tpu.memory_space<vmem>>, vector<16xi32>, vector<16xi1>
      %convert_element_type3A_446 = arith.extui %and3A_443 : vector<16xi1> to vector<16xi32>
      %reduce_sum3A_447 = arith.constant true
      %reduce_sum3A_448 = vector.broadcast %reduce_sum3A_447 : i1 to vector<16xi1>
      %reduce_sum3A_449 = tpu.scan <sum>, %convert_element_type3A_446 masked %reduce_sum3A_448 : vector<16xi32>, vector<16xi1> -> vector<16xi32>
      %reduce_sum3A_450 = vector.extract %reduce_sum3A_449[15] : i32 from vector<16xi32>
      %add3A_451 = arith.addi %add3A_393, %reduce_sum3A_450 : i32
      %add3A_452 = arith.constant 32 : i32
      %add3A_453 = vector.broadcast %add3A_452 : i32 to vector<16xi32>
      %add3A_454 = arith.addi %iota3A, %add3A_453 : vector<16xi32>
      %get3A_455 = arith.constant 32 : index
      %get3A_456 = tpu.vector_load %arg23[%get3A_455] {strides = array<i32>} : memref<112xf32, #tpu.memory_space<vmem>>, vector<16xf32>,
      %get3A_457 = arith.constant 32 : index
      %get3A_458 = tpu.vector_load %arg24[%get3A_457] {strides = array<i32>} : memref<112xf32, #tpu.memory_space<vmem>>, vector<16xf32>,
      %get3A_459 = arith.constant 32 : index
      %get3A_460 = tpu.vector_load %arg25[%get3A_459] {strides = array<i32>} : memref<112xf32, #tpu.memory_space<vmem>>, vector<16xf32>,
      %get3A_461 = arith.constant 32 : index
      %get3A_462 = tpu.vector_load %arg26[%get3A_461] {strides = array<i32>} : memref<112xf32, #tpu.memory_space<vmem>>, vector<16xf32>,
      %get3A_463 = arith.constant 32 : index
      %get3A_464 = tpu.vector_load %arg28[%get3A_463] {strides = array<i32>} : memref<112xf32, #tpu.memory_space<vmem>>, vector<16xf32>,
      %get3A_465 = arith.constant 32 : index
      %get3A_466 = tpu.vector_load %arg29[%get3A_465] {strides = array<i32>} : memref<112xf32, #tpu.memory_space<vmem>>, vector<16xf32>,
      %get3A_467 = arith.constant 32 : index
      %get3A_468 = tpu.vector_load %arg31[%get3A_467] {strides = array<i32>} : memref<112xf32, #tpu.memory_space<vmem>>, vector<16xf32>,
      %sub3A_469 = vector.broadcast %reduce_max3A_330 : f32 to vector<16xf32>
      %sub3A_470 = arith.subf %get3A_464, %sub3A_469 : vector<16xf32>
      %max3A_471 = arith.maximumf %sub3A_470, %get3A_456 : vector<16xf32>
      %add3A_472 = vector.broadcast %reduce_max3A_330 : f32 to vector<16xf32>
      %add3A_473 = arith.addf %get3A_464, %add3A_472 : vector<16xf32>
      %min3A_474 = arith.minimumf %add3A_473, %get3A_460 : vector<16xf32>
      %sub3A_475 = vector.broadcast %reduce_max3A_330 : f32 to vector<16xf32>
      %sub3A_476 = arith.subf %get3A_466, %sub3A_475 : vector<16xf32>
      %max3A_477 = arith.maximumf %sub3A_476, %get3A_458 : vector<16xf32>
      %add3A_478 = vector.broadcast %reduce_max3A_330 : f32 to vector<16xf32>
      %add3A_479 = arith.addf %get3A_466, %add3A_478 : vector<16xf32>
      %min3A_480 = arith.minimumf %add3A_479, %get3A_462 : vector<16xf32>
      %lt3A_481 = vector.broadcast %reduce_max3A_318 : f32 to vector<16xf32>
      %lt3A_482 = arith.cmpf olt, %max3A_471, %lt3A_481 : vector<16xf32>
      %gt3A_483 = vector.broadcast %reduce_min3A_315 : f32 to vector<16xf32>
      %gt3A_484 = arith.cmpf ogt, %min3A_474, %gt3A_483 : vector<16xf32>
      %and3A_485 = arith.andi %lt3A_482, %gt3A_484 : vector<16xi1>
      %lt3A_486 = vector.broadcast %reduce_max3A_326 : f32 to vector<16xf32>
      %lt3A_487 = arith.cmpf olt, %max3A_477, %lt3A_486 : vector<16xf32>
      %and3A_488 = arith.andi %and3A_485, %lt3A_487 : vector<16xi1>
      %gt3A_489 = vector.broadcast %reduce_min3A_322 : f32 to vector<16xf32>
      %gt3A_490 = arith.cmpf ogt, %min3A_480, %gt3A_489 : vector<16xf32>
      %and3A_491 = arith.andi %and3A_488, %gt3A_490 : vector<16xi1>
      %ge3A_492 = vector.broadcast %reduce_min3A_334 : f32 to vector<16xf32>
      %ge3A_493 = arith.cmpf oge, %get3A_468, %ge3A_492 : vector<16xf32>
      %le3A_494 = vector.broadcast %mul3A_340 : f32 to vector<16xf32>
      %le3A_495 = arith.cmpf ole, %get3A_468, %le3A_494 : vector<16xf32>
      %and3A_496 = arith.andi %ge3A_493, %le3A_495 : vector<16xi1>
      %and3A_497 = arith.andi %and3A_491, %and3A_496 : vector<16xi1>
      %lt3A_498 = arith.constant 100 : i32
      %lt3A_499 = vector.broadcast %lt3A_498 : i32 to vector<16xi32>
      %lt3A_500 = arith.cmpi slt, %add3A_454, %lt3A_499 : vector<16xi32>
      %and3A_501 = arith.andi %and3A_497, %lt3A_500 : vector<16xi1>
      %swap3A_502 = arith.index_cast %add3A_451 : i32 to index
      %swap3A_503 = tpu.vector_load %arg32[%swap3A_502] masked %and3A_501 {strides = array<i32>} : memref<128xi32, #tpu.memory_space<vmem>>, vector<16xi32>, vector<16xi1>
      tpu.vector_store %arg32[%swap3A_502], %add3A_454 masked %and3A_501 {strides = array<i32>} : memref<128xi32, #tpu.memory_space<vmem>>, vector<16xi32>, vector<16xi1>
      %convert_element_type3A_504 = arith.extui %and3A_501 : vector<16xi1> to vector<16xi32>
      %reduce_sum3A_505 = arith.constant true
      %reduce_sum3A_506 = vector.broadcast %reduce_sum3A_505 : i1 to vector<16xi1>
      %reduce_sum3A_507 = tpu.scan <sum>, %convert_element_type3A_504 masked %reduce_sum3A_506 : vector<16xi32>, vector<16xi1> -> vector<16xi32>
      %reduce_sum3A_508 = vector.extract %reduce_sum3A_507[15] : i32 from vector<16xi32>
      %add3A_509 = arith.addi %add3A_451, %reduce_sum3A_508 : i32
      %add3A_510 = arith.constant 48 : i32
      %add3A_511 = vector.broadcast %add3A_510 : i32 to vector<16xi32>
      %add3A_512 = arith.addi %iota3A, %add3A_511 : vector<16xi32>
      %get3A_513 = arith.constant 48 : index
      %get3A_514 = tpu.vector_load %arg23[%get3A_513] {strides = array<i32>} : memref<112xf32, #tpu.memory_space<vmem>>, vector<16xf32>,
      %get3A_515 = arith.constant 48 : index
      %get3A_516 = tpu.vector_load %arg24[%get3A_515] {strides = array<i32>} : memref<112xf32, #tpu.memory_space<vmem>>, vector<16xf32>,
      %get3A_517 = arith.constant 48 : index
      %get3A_518 = tpu.vector_load %arg25[%get3A_517] {strides = array<i32>} : memref<112xf32, #tpu.memory_space<vmem>>, vector<16xf32>,
      %get3A_519 = arith.constant 48 : index
      %get3A_520 = tpu.vector_load %arg26[%get3A_519] {strides = array<i32>} : memref<112xf32, #tpu.memory_space<vmem>>, vector<16xf32>,
      %get3A_521 = arith.constant 48 : index
      %get3A_522 = tpu.vector_load %arg28[%get3A_521] {strides = array<i32>} : memref<112xf32, #tpu.memory_space<vmem>>, vector<16xf32>,
      %get3A_523 = arith.constant 48 : index
      %get3A_524 = tpu.vector_load %arg29[%get3A_523] {strides = array<i32>} : memref<112xf32, #tpu.memory_space<vmem>>, vector<16xf32>,
      %get3A_525 = arith.constant 48 : index
      %get3A_526 = tpu.vector_load %arg31[%get3A_525] {strides = array<i32>} : memref<112xf32, #tpu.memory_space<vmem>>, vector<16xf32>,
      %sub3A_527 = vector.broadcast %reduce_max3A_330 : f32 to vector<16xf32>
      %sub3A_528 = arith.subf %get3A_522, %sub3A_527 : vector<16xf32>
      %max3A_529 = arith.maximumf %sub3A_528, %get3A_514 : vector<16xf32>
      %add3A_530 = vector.broadcast %reduce_max3A_330 : f32 to vector<16xf32>
      %add3A_531 = arith.addf %get3A_522, %add3A_530 : vector<16xf32>
      %min3A_532 = arith.minimumf %add3A_531, %get3A_518 : vector<16xf32>
      %sub3A_533 = vector.broadcast %reduce_max3A_330 : f32 to vector<16xf32>
      %sub3A_534 = arith.subf %get3A_524, %sub3A_533 : vector<16xf32>
      %max3A_535 = arith.maximumf %sub3A_534, %get3A_516 : vector<16xf32>
      %add3A_536 = vector.broadcast %reduce_max3A_330 : f32 to vector<16xf32>
      %add3A_537 = arith.addf %get3A_524, %add3A_536 : vector<16xf32>
      %min3A_538 = arith.minimumf %add3A_537, %get3A_520 : vector<16xf32>
      %lt3A_539 = vector.broadcast %reduce_max3A_318 : f32 to vector<16xf32>
      %lt3A_540 = arith.cmpf olt, %max3A_529, %lt3A_539 : vector<16xf32>
      %gt3A_541 = vector.broadcast %reduce_min3A_315 : f32 to vector<16xf32>
      %gt3A_542 = arith.cmpf ogt, %min3A_532, %gt3A_541 : vector<16xf32>
      %and3A_543 = arith.andi %lt3A_540, %gt3A_542 : vector<16xi1>
      %lt3A_544 = vector.broadcast %reduce_max3A_326 : f32 to vector<16xf32>
      %lt3A_545 = arith.cmpf olt, %max3A_535, %lt3A_544 : vector<16xf32>
      %and3A_546 = arith.andi %and3A_543, %lt3A_545 : vector<16xi1>
      %gt3A_547 = vector.broadcast %reduce_min3A_322 : f32 to vector<16xf32>
      %gt3A_548 = arith.cmpf ogt, %min3A_538, %gt3A_547 : vector<16xf32>
      %and3A_549 = arith.andi %and3A_546, %gt3A_548 : vector<16xi1>
      %ge3A_550 = vector.broadcast %reduce_min3A_334 : f32 to vector<16xf32>
      %ge3A_551 = arith.cmpf oge, %get3A_526, %ge3A_550 : vector<16xf32>
      %le3A_552 = vector.broadcast %mul3A_340 : f32 to vector<16xf32>
      %le3A_553 = arith.cmpf ole, %get3A_526, %le3A_552 : vector<16xf32>
      %and3A_554 = arith.andi %ge3A_551, %le3A_553 : vector<16xi1>
      %and3A_555 = arith.andi %and3A_549, %and3A_554 : vector<16xi1>
      %lt3A_556 = arith.constant 100 : i32
      %lt3A_557 = vector.broadcast %lt3A_556 : i32 to vector<16xi32>
      %lt3A_558 = arith.cmpi slt, %add3A_512, %lt3A_557 : vector<16xi32>
      %and3A_559 = arith.andi %and3A_555, %lt3A_558 : vector<16xi1>
      %swap3A_560 = arith.index_cast %add3A_509 : i32 to index
      %swap3A_561 = tpu.vector_load %arg32[%swap3A_560] masked %and3A_559 {strides = array<i32>} : memref<128xi32, #tpu.memory_space<vmem>>, vector<16xi32>, vector<16xi1>
      tpu.vector_store %arg32[%swap3A_560], %add3A_512 masked %and3A_559 {strides = array<i32>} : memref<128xi32, #tpu.memory_space<vmem>>, vector<16xi32>, vector<16xi1>
      %convert_element_type3A_562 = arith.extui %and3A_559 : vector<16xi1> to vector<16xi32>
      %reduce_sum3A_563 = arith.constant true
      %reduce_sum3A_564 = vector.broadcast %reduce_sum3A_563 : i1 to vector<16xi1>
      %reduce_sum3A_565 = tpu.scan <sum>, %convert_element_type3A_562 masked %reduce_sum3A_564 : vector<16xi32>, vector<16xi1> -> vector<16xi32>
      %reduce_sum3A_566 = vector.extract %reduce_sum3A_565[15] : i32 from vector<16xi32>
      %add3A_567 = arith.addi %add3A_509, %reduce_sum3A_566 : i32
      %add3A_568 = arith.constant 64 : i32
      %add3A_569 = vector.broadcast %add3A_568 : i32 to vector<16xi32>
      %add3A_570 = arith.addi %iota3A, %add3A_569 : vector<16xi32>
      %get3A_571 = arith.constant 64 : index
      %get3A_572 = tpu.vector_load %arg23[%get3A_571] {strides = array<i32>} : memref<112xf32, #tpu.memory_space<vmem>>, vector<16xf32>,
      %get3A_573 = arith.constant 64 : index
      %get3A_574 = tpu.vector_load %arg24[%get3A_573] {strides = array<i32>} : memref<112xf32, #tpu.memory_space<vmem>>, vector<16xf32>,
      %get3A_575 = arith.constant 64 : index
      %get3A_576 = tpu.vector_load %arg25[%get3A_575] {strides = array<i32>} : memref<112xf32, #tpu.memory_space<vmem>>, vector<16xf32>,
      %get3A_577 = arith.constant 64 : index
      %get3A_578 = tpu.vector_load %arg26[%get3A_577] {strides = array<i32>} : memref<112xf32, #tpu.memory_space<vmem>>, vector<16xf32>,
      %get3A_579 = arith.constant 64 : index
      %get3A_580 = tpu.vector_load %arg28[%get3A_579] {strides = array<i32>} : memref<112xf32, #tpu.memory_space<vmem>>, vector<16xf32>,
      %get3A_581 = arith.constant 64 : index
      %get3A_582 = tpu.vector_load %arg29[%get3A_581] {strides = array<i32>} : memref<112xf32, #tpu.memory_space<vmem>>, vector<16xf32>,
      %get3A_583 = arith.constant 64 : index
      %get3A_584 = tpu.vector_load %arg31[%get3A_583] {strides = array<i32>} : memref<112xf32, #tpu.memory_space<vmem>>, vector<16xf32>,
      %sub3A_585 = vector.broadcast %reduce_max3A_330 : f32 to vector<16xf32>
      %sub3A_586 = arith.subf %get3A_580, %sub3A_585 : vector<16xf32>
      %max3A_587 = arith.maximumf %sub3A_586, %get3A_572 : vector<16xf32>
      %add3A_588 = vector.broadcast %reduce_max3A_330 : f32 to vector<16xf32>
      %add3A_589 = arith.addf %get3A_580, %add3A_588 : vector<16xf32>
      %min3A_590 = arith.minimumf %add3A_589, %get3A_576 : vector<16xf32>
      %sub3A_591 = vector.broadcast %reduce_max3A_330 : f32 to vector<16xf32>
      %sub3A_592 = arith.subf %get3A_582, %sub3A_591 : vector<16xf32>
      %max3A_593 = arith.maximumf %sub3A_592, %get3A_574 : vector<16xf32>
      %add3A_594 = vector.broadcast %reduce_max3A_330 : f32 to vector<16xf32>
      %add3A_595 = arith.addf %get3A_582, %add3A_594 : vector<16xf32>
      %min3A_596 = arith.minimumf %add3A_595, %get3A_578 : vector<16xf32>
      %lt3A_597 = vector.broadcast %reduce_max3A_318 : f32 to vector<16xf32>
      %lt3A_598 = arith.cmpf olt, %max3A_587, %lt3A_597 : vector<16xf32>
      %gt3A_599 = vector.broadcast %reduce_min3A_315 : f32 to vector<16xf32>
      %gt3A_600 = arith.cmpf ogt, %min3A_590, %gt3A_599 : vector<16xf32>
      %and3A_601 = arith.andi %lt3A_598, %gt3A_600 : vector<16xi1>
      %lt3A_602 = vector.broadcast %reduce_max3A_326 : f32 to vector<16xf32>
      %lt3A_603 = arith.cmpf olt, %max3A_593, %lt3A_602 : vector<16xf32>
      %and3A_604 = arith.andi %and3A_601, %lt3A_603 : vector<16xi1>
      %gt3A_605 = vector.broadcast %reduce_min3A_322 : f32 to vector<16xf32>
      %gt3A_606 = arith.cmpf ogt, %min3A_596, %gt3A_605 : vector<16xf32>
      %and3A_607 = arith.andi %and3A_604, %gt3A_606 : vector<16xi1>
      %ge3A_608 = vector.broadcast %reduce_min3A_334 : f32 to vector<16xf32>
      %ge3A_609 = arith.cmpf oge, %get3A_584, %ge3A_608 : vector<16xf32>
      %le3A_610 = vector.broadcast %mul3A_340 : f32 to vector<16xf32>
      %le3A_611 = arith.cmpf ole, %get3A_584, %le3A_610 : vector<16xf32>
      %and3A_612 = arith.andi %ge3A_609, %le3A_611 : vector<16xi1>
      %and3A_613 = arith.andi %and3A_607, %and3A_612 : vector<16xi1>
      %lt3A_614 = arith.constant 100 : i32
      %lt3A_615 = vector.broadcast %lt3A_614 : i32 to vector<16xi32>
      %lt3A_616 = arith.cmpi slt, %add3A_570, %lt3A_615 : vector<16xi32>
      %and3A_617 = arith.andi %and3A_613, %lt3A_616 : vector<16xi1>
      %swap3A_618 = arith.index_cast %add3A_567 : i32 to index
      %swap3A_619 = tpu.vector_load %arg32[%swap3A_618] masked %and3A_617 {strides = array<i32>} : memref<128xi32, #tpu.memory_space<vmem>>, vector<16xi32>, vector<16xi1>
      tpu.vector_store %arg32[%swap3A_618], %add3A_570 masked %and3A_617 {strides = array<i32>} : memref<128xi32, #tpu.memory_space<vmem>>, vector<16xi32>, vector<16xi1>
      %convert_element_type3A_620 = arith.extui %and3A_617 : vector<16xi1> to vector<16xi32>
      %reduce_sum3A_621 = arith.constant true
      %reduce_sum3A_622 = vector.broadcast %reduce_sum3A_621 : i1 to vector<16xi1>
      %reduce_sum3A_623 = tpu.scan <sum>, %convert_element_type3A_620 masked %reduce_sum3A_622 : vector<16xi32>, vector<16xi1> -> vector<16xi32>
      %reduce_sum3A_624 = vector.extract %reduce_sum3A_623[15] : i32 from vector<16xi32>
      %add3A_625 = arith.addi %add3A_567, %reduce_sum3A_624 : i32
      %add3A_626 = arith.constant 80 : i32
      %add3A_627 = vector.broadcast %add3A_626 : i32 to vector<16xi32>
      %add3A_628 = arith.addi %iota3A, %add3A_627 : vector<16xi32>
      %get3A_629 = arith.constant 80 : index
      %get3A_630 = tpu.vector_load %arg23[%get3A_629] {strides = array<i32>} : memref<112xf32, #tpu.memory_space<vmem>>, vector<16xf32>,
      %get3A_631 = arith.constant 80 : index
      %get3A_632 = tpu.vector_load %arg24[%get3A_631] {strides = array<i32>} : memref<112xf32, #tpu.memory_space<vmem>>, vector<16xf32>,
      %get3A_633 = arith.constant 80 : index
      %get3A_634 = tpu.vector_load %arg25[%get3A_633] {strides = array<i32>} : memref<112xf32, #tpu.memory_space<vmem>>, vector<16xf32>,
      %get3A_635 = arith.constant 80 : index
      %get3A_636 = tpu.vector_load %arg26[%get3A_635] {strides = array<i32>} : memref<112xf32, #tpu.memory_space<vmem>>, vector<16xf32>,
      %get3A_637 = arith.constant 80 : index
      %get3A_638 = tpu.vector_load %arg28[%get3A_637] {strides = array<i32>} : memref<112xf32, #tpu.memory_space<vmem>>, vector<16xf32>,
      %get3A_639 = arith.constant 80 : index
      %get3A_640 = tpu.vector_load %arg29[%get3A_639] {strides = array<i32>} : memref<112xf32, #tpu.memory_space<vmem>>, vector<16xf32>,
      %get3A_641 = arith.constant 80 : index
      %get3A_642 = tpu.vector_load %arg31[%get3A_641] {strides = array<i32>} : memref<112xf32, #tpu.memory_space<vmem>>, vector<16xf32>,
      %sub3A_643 = vector.broadcast %reduce_max3A_330 : f32 to vector<16xf32>
      %sub3A_644 = arith.subf %get3A_638, %sub3A_643 : vector<16xf32>
      %max3A_645 = arith.maximumf %sub3A_644, %get3A_630 : vector<16xf32>
      %add3A_646 = vector.broadcast %reduce_max3A_330 : f32 to vector<16xf32>
      %add3A_647 = arith.addf %get3A_638, %add3A_646 : vector<16xf32>
      %min3A_648 = arith.minimumf %add3A_647, %get3A_634 : vector<16xf32>
      %sub3A_649 = vector.broadcast %reduce_max3A_330 : f32 to vector<16xf32>
      %sub3A_650 = arith.subf %get3A_640, %sub3A_649 : vector<16xf32>
      %max3A_651 = arith.maximumf %sub3A_650, %get3A_632 : vector<16xf32>
      %add3A_652 = vector.broadcast %reduce_max3A_330 : f32 to vector<16xf32>
      %add3A_653 = arith.addf %get3A_640, %add3A_652 : vector<16xf32>
      %min3A_654 = arith.minimumf %add3A_653, %get3A_636 : vector<16xf32>
      %lt3A_655 = vector.broadcast %reduce_max3A_318 : f32 to vector<16xf32>
      %lt3A_656 = arith.cmpf olt, %max3A_645, %lt3A_655 : vector<16xf32>
      %gt3A_657 = vector.broadcast %reduce_min3A_315 : f32 to vector<16xf32>
      %gt3A_658 = arith.cmpf ogt, %min3A_648, %gt3A_657 : vector<16xf32>
      %and3A_659 = arith.andi %lt3A_656, %gt3A_658 : vector<16xi1>
      %lt3A_660 = vector.broadcast %reduce_max3A_326 : f32 to vector<16xf32>
      %lt3A_661 = arith.cmpf olt, %max3A_651, %lt3A_660 : vector<16xf32>
      %and3A_662 = arith.andi %and3A_659, %lt3A_661 : vector<16xi1>
      %gt3A_663 = vector.broadcast %reduce_min3A_322 : f32 to vector<16xf32>
      %gt3A_664 = arith.cmpf ogt, %min3A_654, %gt3A_663 : vector<16xf32>
      %and3A_665 = arith.andi %and3A_662, %gt3A_664 : vector<16xi1>
      %ge3A_666 = vector.broadcast %reduce_min3A_334 : f32 to vector<16xf32>
      %ge3A_667 = arith.cmpf oge, %get3A_642, %ge3A_666 : vector<16xf32>
      %le3A_668 = vector.broadcast %mul3A_340 : f32 to vector<16xf32>
      %le3A_669 = arith.cmpf ole, %get3A_642, %le3A_668 : vector<16xf32>
      %and3A_670 = arith.andi %ge3A_667, %le3A_669 : vector<16xi1>
      %and3A_671 = arith.andi %and3A_665, %and3A_670 : vector<16xi1>
      %lt3A_672 = arith.constant 100 : i32
      %lt3A_673 = vector.broadcast %lt3A_672 : i32 to vector<16xi32>
      %lt3A_674 = arith.cmpi slt, %add3A_628, %lt3A_673 : vector<16xi32>
      %and3A_675 = arith.andi %and3A_671, %lt3A_674 : vector<16xi1>
      %swap3A_676 = arith.index_cast %add3A_625 : i32 to index
      %swap3A_677 = tpu.vector_load %arg32[%swap3A_676] masked %and3A_675 {strides = array<i32>} : memref<128xi32, #tpu.memory_space<vmem>>, vector<16xi32>, vector<16xi1>
      tpu.vector_store %arg32[%swap3A_676], %add3A_628 masked %and3A_675 {strides = array<i32>} : memref<128xi32, #tpu.memory_space<vmem>>, vector<16xi32>, vector<16xi1>
      %convert_element_type3A_678 = arith.extui %and3A_675 : vector<16xi1> to vector<16xi32>
      %reduce_sum3A_679 = arith.constant true
      %reduce_sum3A_680 = vector.broadcast %reduce_sum3A_679 : i1 to vector<16xi1>
      %reduce_sum3A_681 = tpu.scan <sum>, %convert_element_type3A_678 masked %reduce_sum3A_680 : vector<16xi32>, vector<16xi1> -> vector<16xi32>
      %reduce_sum3A_682 = vector.extract %reduce_sum3A_681[15] : i32 from vector<16xi32>
      %add3A_683 = arith.addi %add3A_625, %reduce_sum3A_682 : i32
      %add3A_684 = arith.constant 96 : i32
      %add3A_685 = vector.broadcast %add3A_684 : i32 to vector<16xi32>
      %add3A_686 = arith.addi %iota3A, %add3A_685 : vector<16xi32>
      %get3A_687 = arith.constant 96 : index
      %get3A_688 = tpu.vector_load %arg23[%get3A_687] {strides = array<i32>} : memref<112xf32, #tpu.memory_space<vmem>>, vector<16xf32>,
      %get3A_689 = arith.constant 96 : index
      %get3A_690 = tpu.vector_load %arg24[%get3A_689] {strides = array<i32>} : memref<112xf32, #tpu.memory_space<vmem>>, vector<16xf32>,
      %get3A_691 = arith.constant 96 : index
      %get3A_692 = tpu.vector_load %arg25[%get3A_691] {strides = array<i32>} : memref<112xf32, #tpu.memory_space<vmem>>, vector<16xf32>,
      %get3A_693 = arith.constant 96 : index
      %get3A_694 = tpu.vector_load %arg26[%get3A_693] {strides = array<i32>} : memref<112xf32, #tpu.memory_space<vmem>>, vector<16xf32>,
      %get3A_695 = arith.constant 96 : index
      %get3A_696 = tpu.vector_load %arg28[%get3A_695] {strides = array<i32>} : memref<112xf32, #tpu.memory_space<vmem>>, vector<16xf32>,
      %get3A_697 = arith.constant 96 : index
      %get3A_698 = tpu.vector_load %arg29[%get3A_697] {strides = array<i32>} : memref<112xf32, #tpu.memory_space<vmem>>, vector<16xf32>,
      %get3A_699 = arith.constant 96 : index
      %get3A_700 = tpu.vector_load %arg31[%get3A_699] {strides = array<i32>} : memref<112xf32, #tpu.memory_space<vmem>>, vector<16xf32>,
      %sub3A_701 = vector.broadcast %reduce_max3A_330 : f32 to vector<16xf32>
      %sub3A_702 = arith.subf %get3A_696, %sub3A_701 : vector<16xf32>
      %max3A_703 = arith.maximumf %sub3A_702, %get3A_688 : vector<16xf32>
      %add3A_704 = vector.broadcast %reduce_max3A_330 : f32 to vector<16xf32>
      %add3A_705 = arith.addf %get3A_696, %add3A_704 : vector<16xf32>
      %min3A_706 = arith.minimumf %add3A_705, %get3A_692 : vector<16xf32>
      %sub3A_707 = vector.broadcast %reduce_max3A_330 : f32 to vector<16xf32>
      %sub3A_708 = arith.subf %get3A_698, %sub3A_707 : vector<16xf32>
      %max3A_709 = arith.maximumf %sub3A_708, %get3A_690 : vector<16xf32>
      %add3A_710 = vector.broadcast %reduce_max3A_330 : f32 to vector<16xf32>
      %add3A_711 = arith.addf %get3A_698, %add3A_710 : vector<16xf32>
      %min3A_712 = arith.minimumf %add3A_711, %get3A_694 : vector<16xf32>
      %lt3A_713 = vector.broadcast %reduce_max3A_318 : f32 to vector<16xf32>
      %lt3A_714 = arith.cmpf olt, %max3A_703, %lt3A_713 : vector<16xf32>
      %gt3A_715 = vector.broadcast %reduce_min3A_315 : f32 to vector<16xf32>
      %gt3A_716 = arith.cmpf ogt, %min3A_706, %gt3A_715 : vector<16xf32>
      %and3A_717 = arith.andi %lt3A_714, %gt3A_716 : vector<16xi1>
      %lt3A_718 = vector.broadcast %reduce_max3A_326 : f32 to vector<16xf32>
      %lt3A_719 = arith.cmpf olt, %max3A_709, %lt3A_718 : vector<16xf32>
      %and3A_720 = arith.andi %and3A_717, %lt3A_719 : vector<16xi1>
      %gt3A_721 = vector.broadcast %reduce_min3A_322 : f32 to vector<16xf32>
      %gt3A_722 = arith.cmpf ogt, %min3A_712, %gt3A_721 : vector<16xf32>
      %and3A_723 = arith.andi %and3A_720, %gt3A_722 : vector<16xi1>
      %ge3A_724 = vector.broadcast %reduce_min3A_334 : f32 to vector<16xf32>
      %ge3A_725 = arith.cmpf oge, %get3A_700, %ge3A_724 : vector<16xf32>
      %le3A_726 = vector.broadcast %mul3A_340 : f32 to vector<16xf32>
      %le3A_727 = arith.cmpf ole, %get3A_700, %le3A_726 : vector<16xf32>
      %and3A_728 = arith.andi %ge3A_725, %le3A_727 : vector<16xi1>
      %and3A_729 = arith.andi %and3A_723, %and3A_728 : vector<16xi1>
      %lt3A_730 = arith.constant 100 : i32
      %lt3A_731 = vector.broadcast %lt3A_730 : i32 to vector<16xi32>
      %lt3A_732 = arith.cmpi slt, %add3A_686, %lt3A_731 : vector<16xi32>
      %and3A_733 = arith.andi %and3A_729, %lt3A_732 : vector<16xi1>
      %swap3A_734 = arith.index_cast %add3A_683 : i32 to index
      %swap3A_735 = tpu.vector_load %arg32[%swap3A_734] masked %and3A_733 {strides = array<i32>} : memref<128xi32, #tpu.memory_space<vmem>>, vector<16xi32>, vector<16xi1>
      tpu.vector_store %arg32[%swap3A_734], %add3A_686 masked %and3A_733 {strides = array<i32>} : memref<128xi32, #tpu.memory_space<vmem>>, vector<16xi32>, vector<16xi1>
      %convert_element_type3A_736 = arith.extui %and3A_733 : vector<16xi1> to vector<16xi32>
      %reduce_sum3A_737 = arith.constant true
      %reduce_sum3A_738 = vector.broadcast %reduce_sum3A_737 : i1 to vector<16xi1>
      %reduce_sum3A_739 = tpu.scan <sum>, %convert_element_type3A_736 masked %reduce_sum3A_738 : vector<16xi32>, vector<16xi1> -> vector<16xi32>
      %reduce_sum3A_740 = vector.extract %reduce_sum3A_739[15] : i32 from vector<16xi32>
      %add3A_741 = arith.addi %add3A_683, %reduce_sum3A_740 : i32
      %broadcast_in_dim3A = arith.constant 1.000000e+08 : f32
      %broadcast_in_dim3A_742 = vector.broadcast %broadcast_in_dim3A : f32 to vector<16xf32>
      %broadcast_in_dim3A_743 = arith.constant 0 : i32
      %broadcast_in_dim3A_744 = vector.broadcast %broadcast_in_dim3A_743 : i32 to vector<16xi32>
      %while3A = arith.constant 0 : i32
      %while3A_745 = arith.subi %add3A_741, %while3A : i32
      %while3A_746 = arith.addi %while3A, %while3A_745 : i32
      %while3A_747 = arith.constant 1 : i32
      %while3A_748 = arith.divsi %while3A_745, %while3A_747 : i32
      %while3A_749 = arith.muli %while3A_748, %while3A_747 : i32
      %while3A_750 = arith.addi %while3A, %while3A_749 : i32
      %while3A_751 = arith.constant 1 : i32
      %while3A_752:2 = scf.for %while3A_832 = %while3A to %while3A_750 step %while3A_751 iter_args(%while3A_833 = %broadcast_in_dim3A_742, %while3A_834 = %broadcast_in_dim3A_744) -> (vector<16xf32>, vector<16xi32>)  : i32 {
        %broadcast_in_dim3A_835 = vector.broadcast %while3A_832 : i32 to vector<16xi32>
        %gather3A_836 = tpu.vector_load_idx %arg32[%broadcast_in_dim3A_835] : memref<128xi32, #tpu.memory_space<vmem>>[vector<16xi32>], vector<16xi32>,
        %gather3A_837 = tpu.vector_load_idx %arg23[%gather3A_836] : memref<112xf32, #tpu.memory_space<vmem>>[vector<16xi32>], vector<16xf32>,
        %gather3A_838 = tpu.vector_load_idx %arg24[%gather3A_836] : memref<112xf32, #tpu.memory_space<vmem>>[vector<16xi32>], vector<16xf32>,
        %gather3A_839 = tpu.vector_load_idx %arg25[%gather3A_836] : memref<112xf32, #tpu.memory_space<vmem>>[vector<16xi32>], vector<16xf32>,
        %gather3A_840 = tpu.vector_load_idx %arg26[%gather3A_836] : memref<112xf32, #tpu.memory_space<vmem>>[vector<16xi32>], vector<16xf32>,
        %gather3A_841 = tpu.vector_load_idx %arg28[%gather3A_836] : memref<112xf32, #tpu.memory_space<vmem>>[vector<16xi32>], vector<16xf32>,
        %gather3A_842 = tpu.vector_load_idx %arg29[%gather3A_836] : memref<112xf32, #tpu.memory_space<vmem>>[vector<16xi32>], vector<16xf32>,
        %gather3A_843 = tpu.vector_load_idx %arg30[%gather3A_836] : memref<112xf32, #tpu.memory_space<vmem>>[vector<16xi32>], vector<16xf32>,
        %sub3A_844 = arith.subf %get3A_301, %gather3A_837 : vector<16xf32>
        %sub3A_845 = arith.subf %get3A_303, %gather3A_838 : vector<16xf32>
        %sub3A_846 = arith.subf %gather3A_839, %get3A_301 : vector<16xf32>
        %sub3A_847 = arith.subf %gather3A_840, %get3A_303 : vector<16xf32>
        %max3A_848 = arith.maximumf %sub3A_844, %sub3A_845 : vector<16xf32>
        %max3A_849 = arith.maximumf %sub3A_846, %sub3A_847 : vector<16xf32>
        %max3A_850 = arith.maximumf %max3A_848, %max3A_849 : vector<16xf32>
        %ge3A_851 = arith.cmpf oge, %max3A_850, %get3A_305 : vector<16xf32>
        %le3A_852 = arith.cmpf ole, %max3A_850, %get3A_307 : vector<16xf32>
        %and3A_853 = arith.andi %ge3A_851, %le3A_852 : vector<16xi1>
        %sub3A_854 = arith.subf %gather3A_841, %mul3A_312 : vector<16xf32>
        %max3A_855 = arith.maximumf %sub3A_854, %gather3A_837 : vector<16xf32>
        %sub3A_856 = arith.subf %gather3A_842, %mul3A_312 : vector<16xf32>
        %max3A_857 = arith.maximumf %sub3A_856, %gather3A_838 : vector<16xf32>
        %add3A_858 = arith.addf %gather3A_841, %mul3A_312 : vector<16xf32>
        %min3A_859 = arith.minimumf %add3A_858, %gather3A_839 : vector<16xf32>
        %add3A_860 = arith.addf %gather3A_842, %mul3A_312 : vector<16xf32>
        %min3A_861 = arith.minimumf %add3A_860, %gather3A_840 : vector<16xf32>
        %sub3A_862 = arith.subf %get3A_301, %max3A_855 : vector<16xf32>
        %sub3A_863 = arith.subf %get3A_303, %max3A_857 : vector<16xf32>
        %min3A_864 = arith.minimumf %sub3A_862, %sub3A_863 : vector<16xf32>
        %sub3A_865 = arith.subf %min3A_859, %get3A_301 : vector<16xf32>
        %sub3A_866 = arith.subf %min3A_861, %get3A_303 : vector<16xf32>
        %min3A_867 = arith.minimumf %sub3A_865, %sub3A_866 : vector<16xf32>
        %min3A_868 = arith.minimumf %min3A_864, %min3A_867 : vector<16xf32>
        %gt3A_869 = arith.constant 0.000000e+00 : f32
        %gt3A_870 = vector.broadcast %gt3A_869 : f32 to vector<16xf32>
        %gt3A_871 = arith.cmpf ogt, %min3A_868, %gt3A_870 : vector<16xf32>
        %and3A_872 = arith.andi %gt3A_871, %and3A_853 : vector<16xi1>
        %jit3A_873 = arith.constant 1.000000e+08 : f32
        %broadcast_in_dim3A_874 = vector.broadcast %jit3A_873 : f32 to vector<16xf32>
        %select_n3A_875 = arith.select %and3A_872, %gather3A_843, %broadcast_in_dim3A_874 : vector<16xi1>, vector<16xf32>
        %lt3A_876 = arith.cmpf olt, %select_n3A_875, %while3A_833 : vector<16xf32>
        %min3A_877 = arith.minimumf %while3A_833, %select_n3A_875 : vector<16xf32>
        %select_n3A_878 = arith.select %lt3A_876, %gather3A_836, %while3A_834 : vector<16xi1>, vector<16xi32>
        scf.yield %min3A_877, %select_n3A_878 : vector<16xf32>, vector<16xi32>
      }
      %while3A_753 = arith.constant 1 : i32
      %while3A_754:2 = scf.for %while3A_832 = %while3A_750 to %while3A_746 step %while3A_753 iter_args(%while3A_833 = %while3A_752#0, %while3A_834 = %while3A_752#1) -> (vector<16xf32>, vector<16xi32>)  : i32 {
        %broadcast_in_dim3A_835 = vector.broadcast %while3A_832 : i32 to vector<16xi32>
        %gather3A_836 = tpu.vector_load_idx %arg32[%broadcast_in_dim3A_835] : memref<128xi32, #tpu.memory_space<vmem>>[vector<16xi32>], vector<16xi32>,
        %gather3A_837 = tpu.vector_load_idx %arg23[%gather3A_836] : memref<112xf32, #tpu.memory_space<vmem>>[vector<16xi32>], vector<16xf32>,
        %gather3A_838 = tpu.vector_load_idx %arg24[%gather3A_836] : memref<112xf32, #tpu.memory_space<vmem>>[vector<16xi32>], vector<16xf32>,
        %gather3A_839 = tpu.vector_load_idx %arg25[%gather3A_836] : memref<112xf32, #tpu.memory_space<vmem>>[vector<16xi32>], vector<16xf32>,
        %gather3A_840 = tpu.vector_load_idx %arg26[%gather3A_836] : memref<112xf32, #tpu.memory_space<vmem>>[vector<16xi32>], vector<16xf32>,
        %gather3A_841 = tpu.vector_load_idx %arg28[%gather3A_836] : memref<112xf32, #tpu.memory_space<vmem>>[vector<16xi32>], vector<16xf32>,
        %gather3A_842 = tpu.vector_load_idx %arg29[%gather3A_836] : memref<112xf32, #tpu.memory_space<vmem>>[vector<16xi32>], vector<16xf32>,
        %gather3A_843 = tpu.vector_load_idx %arg30[%gather3A_836] : memref<112xf32, #tpu.memory_space<vmem>>[vector<16xi32>], vector<16xf32>,
        %sub3A_844 = arith.subf %get3A_301, %gather3A_837 : vector<16xf32>
        %sub3A_845 = arith.subf %get3A_303, %gather3A_838 : vector<16xf32>
        %sub3A_846 = arith.subf %gather3A_839, %get3A_301 : vector<16xf32>
        %sub3A_847 = arith.subf %gather3A_840, %get3A_303 : vector<16xf32>
        %max3A_848 = arith.maximumf %sub3A_844, %sub3A_845 : vector<16xf32>
        %max3A_849 = arith.maximumf %sub3A_846, %sub3A_847 : vector<16xf32>
        %max3A_850 = arith.maximumf %max3A_848, %max3A_849 : vector<16xf32>
        %ge3A_851 = arith.cmpf oge, %max3A_850, %get3A_305 : vector<16xf32>
        %le3A_852 = arith.cmpf ole, %max3A_850, %get3A_307 : vector<16xf32>
        %and3A_853 = arith.andi %ge3A_851, %le3A_852 : vector<16xi1>
        %sub3A_854 = arith.subf %gather3A_841, %mul3A_312 : vector<16xf32>
        %max3A_855 = arith.maximumf %sub3A_854, %gather3A_837 : vector<16xf32>
        %sub3A_856 = arith.subf %gather3A_842, %mul3A_312 : vector<16xf32>
        %max3A_857 = arith.maximumf %sub3A_856, %gather3A_838 : vector<16xf32>
        %add3A_858 = arith.addf %gather3A_841, %mul3A_312 : vector<16xf32>
        %min3A_859 = arith.minimumf %add3A_858, %gather3A_839 : vector<16xf32>
        %add3A_860 = arith.addf %gather3A_842, %mul3A_312 : vector<16xf32>
        %min3A_861 = arith.minimumf %add3A_860, %gather3A_840 : vector<16xf32>
        %sub3A_862 = arith.subf %get3A_301, %max3A_855 : vector<16xf32>
        %sub3A_863 = arith.subf %get3A_303, %max3A_857 : vector<16xf32>
        %min3A_864 = arith.minimumf %sub3A_862, %sub3A_863 : vector<16xf32>
        %sub3A_865 = arith.subf %min3A_859, %get3A_301 : vector<16xf32>
        %sub3A_866 = arith.subf %min3A_861, %get3A_303 : vector<16xf32>
        %min3A_867 = arith.minimumf %sub3A_865, %sub3A_866 : vector<16xf32>
        %min3A_868 = arith.minimumf %min3A_864, %min3A_867 : vector<16xf32>
        %gt3A_869 = arith.constant 0.000000e+00 : f32
        %gt3A_870 = vector.broadcast %gt3A_869 : f32 to vector<16xf32>
        %gt3A_871 = arith.cmpf ogt, %min3A_868, %gt3A_870 : vector<16xf32>
        %and3A_872 = arith.andi %gt3A_871, %and3A_853 : vector<16xi1>
        %jit3A_873 = arith.constant 1.000000e+08 : f32
        %broadcast_in_dim3A_874 = vector.broadcast %jit3A_873 : f32 to vector<16xf32>
        %select_n3A_875 = arith.select %and3A_872, %gather3A_843, %broadcast_in_dim3A_874 : vector<16xi1>, vector<16xf32>
        %lt3A_876 = arith.cmpf olt, %select_n3A_875, %while3A_833 : vector<16xf32>
        %min3A_877 = arith.minimumf %while3A_833, %select_n3A_875 : vector<16xf32>
        %select_n3A_878 = arith.select %lt3A_876, %gather3A_836, %while3A_834 : vector<16xi1>, vector<16xi32>
        scf.yield %min3A_877, %select_n3A_878 : vector<16xf32>, vector<16xi32>
      }
      %gather3A = tpu.vector_load_idx %arg23[%while3A_754#1] : memref<112xf32, #tpu.memory_space<vmem>>[vector<16xi32>], vector<16xf32>,
      %gather3A_755 = tpu.vector_load_idx %arg24[%while3A_754#1] : memref<112xf32, #tpu.memory_space<vmem>>[vector<16xi32>], vector<16xf32>,
      %gather3A_756 = tpu.vector_load_idx %arg25[%while3A_754#1] : memref<112xf32, #tpu.memory_space<vmem>>[vector<16xi32>], vector<16xf32>,
      %gather3A_757 = tpu.vector_load_idx %arg26[%while3A_754#1] : memref<112xf32, #tpu.memory_space<vmem>>[vector<16xi32>], vector<16xf32>,
      %gather3A_758 = tpu.vector_load_idx %arg27[%while3A_754#1] : memref<112xi32, #tpu.memory_space<vmem>>[vector<16xi32>], vector<16xi32>,
      %sub3A_759 = arith.subf %get3A_301, %gather3A : vector<16xf32>
      %sub3A_760 = arith.subf %get3A_303, %gather3A_755 : vector<16xf32>
      %sub3A_761 = arith.subf %gather3A_756, %get3A_301 : vector<16xf32>
      %sub3A_762 = arith.subf %gather3A_757, %get3A_303 : vector<16xf32>
      %min3A_763 = arith.minimumf %sub3A_759, %sub3A_761 : vector<16xf32>
      %max3A_764 = arith.maximumf %sub3A_759, %sub3A_761 : vector<16xf32>
      %min3A_765 = arith.minimumf %sub3A_760, %sub3A_762 : vector<16xf32>
      %max3A_766 = arith.maximumf %sub3A_760, %sub3A_762 : vector<16xf32>
      %max3A_767 = arith.constant 9.99999997E-7 : f32
      %max3A_768 = vector.broadcast %max3A_767 : f32 to vector<16xf32>
      %max3A_769 = arith.maximumf %max3A_764, %max3A_768 : vector<16xf32>
      %div3A = arith.divf %min3A_763, %max3A_769 : vector<16xf32>
      %max3A_770 = arith.constant 9.99999997E-7 : f32
      %max3A_771 = vector.broadcast %max3A_770 : f32 to vector<16xf32>
      %max3A_772 = arith.maximumf %max3A_766, %max3A_771 : vector<16xf32>
      %div3A_773 = arith.divf %min3A_765, %max3A_772 : vector<16xf32>
      %mul3A_774 = arith.mulf %div3A, %div3A_773 : vector<16xf32>
      %max3A_775 = arith.constant 9.99999996E-13 : f32
      %max3A_776 = vector.broadcast %max3A_775 : f32 to vector<16xf32>
      %max3A_777 = arith.maximumf %mul3A_774, %max3A_776 : vector<16xf32>
      %bitcast3A = vector.bitcast %max3A_777 : vector<16xf32> to vector<16xi32>
      %shift_right_arithmetic3A = arith.constant 1 : i32
      %shift_right_arithmetic3A_778 = vector.broadcast %shift_right_arithmetic3A : i32 to vector<16xi32>
      %shift_right_arithmetic3A_779 = arith.shrsi %bitcast3A, %shift_right_arithmetic3A_778 : vector<16xi32>
      %sub3A_780 = arith.constant 1597463007 : i32
      %sub3A_781 = vector.broadcast %sub3A_780 : i32 to vector<16xi32>
      %sub3A_782 = arith.subi %sub3A_781, %shift_right_arithmetic3A_779 : vector<16xi32>
      %bitcast3A_783 = vector.bitcast %sub3A_782 : vector<16xi32> to vector<16xf32>
      %mul3A_784 = arith.constant 5.000000e-01 : f32
      %mul3A_785 = vector.broadcast %mul3A_784 : f32 to vector<16xf32>
      %mul3A_786 = arith.mulf %mul3A_785, %max3A_777 : vector<16xf32>
      %mul3A_787 = arith.mulf %mul3A_786, %bitcast3A_783 : vector<16xf32>
      %mul3A_788 = arith.mulf %mul3A_787, %bitcast3A_783 : vector<16xf32>
      %sub3A_789 = arith.constant 1.500000e+00 : f32
      %sub3A_790 = vector.broadcast %sub3A_789 : f32 to vector<16xf32>
      %sub3A_791 = arith.subf %sub3A_790, %mul3A_788 : vector<16xf32>
      %mul3A_792 = arith.mulf %bitcast3A_783, %sub3A_791 : vector<16xf32>
      %mul3A_793 = arith.constant 5.000000e-01 : f32
      %mul3A_794 = vector.broadcast %mul3A_793 : f32 to vector<16xf32>
      %mul3A_795 = arith.mulf %mul3A_794, %max3A_777 : vector<16xf32>
      %mul3A_796 = arith.mulf %mul3A_795, %mul3A_792 : vector<16xf32>
      %mul3A_797 = arith.mulf %mul3A_796, %mul3A_792 : vector<16xf32>
      %sub3A_798 = arith.constant 1.500000e+00 : f32
      %sub3A_799 = vector.broadcast %sub3A_798 : f32 to vector<16xf32>
      %sub3A_800 = arith.subf %sub3A_799, %mul3A_797 : vector<16xf32>
      %mul3A_801 = arith.mulf %mul3A_792, %sub3A_800 : vector<16xf32>
      %mul3A_802 = arith.constant 5.000000e-01 : f32
      %mul3A_803 = vector.broadcast %mul3A_802 : f32 to vector<16xf32>
      %mul3A_804 = arith.mulf %mul3A_803, %max3A_777 : vector<16xf32>
      %mul3A_805 = arith.mulf %mul3A_804, %mul3A_801 : vector<16xf32>
      %mul3A_806 = arith.mulf %mul3A_805, %mul3A_801 : vector<16xf32>
      %sub3A_807 = arith.constant 1.500000e+00 : f32
      %sub3A_808 = vector.broadcast %sub3A_807 : f32 to vector<16xf32>
      %sub3A_809 = arith.subf %sub3A_808, %mul3A_806 : vector<16xf32>
      %mul3A_810 = arith.mulf %mul3A_801, %sub3A_809 : vector<16xf32>
      %mul3A_811 = arith.mulf %max3A_777, %mul3A_810 : vector<16xf32>
      %ge3A_812 = arith.constant 1.000000e+08 : f32
      %ge3A_813 = vector.broadcast %ge3A_812 : f32 to vector<16xf32>
      %ge3A_814 = arith.cmpf oge, %while3A_754#0, %ge3A_813 : vector<16xf32>
      %jit3A = arith.constant 8 : i32
      %broadcast_in_dim3A_815 = vector.broadcast %jit3A : i32 to vector<16xi32>
      %select_n3A = arith.select %ge3A_814, %broadcast_in_dim3A_815, %gather3A_758 : vector<16xi1>, vector<16xi32>
      %swap3A_816 = arith.index_cast %mul3A_299 : i32 to index
      %swap3A_817 = tpu.vector_load %arg33[%swap3A_816] {strides = array<i32>} : memref<688xi32, #tpu.memory_space<vmem>>, vector<16xi32>,
      tpu.vector_store %arg33[%swap3A_816], %select_n3A {strides = array<i32>} : memref<688xi32, #tpu.memory_space<vmem>>, vector<16xi32>,
      %swap3A_818 = arith.index_cast %mul3A_299 : i32 to index
      %swap3A_819 = tpu.vector_load %arg38[%swap3A_818] {strides = array<i32>} : memref<688xf32, #tpu.memory_space<vmem>>, vector<16xf32>,
      tpu.vector_store %arg38[%swap3A_818], %mul3A_811 {strides = array<i32>} : memref<688xf32, #tpu.memory_space<vmem>>, vector<16xf32>,
      %div3A_820 = arith.divf %sub3A_759, %get3A_309 : vector<16xf32>
      %swap3A_821 = arith.index_cast %mul3A_299 : i32 to index
      %swap3A_822 = tpu.vector_load %arg34[%swap3A_821] {strides = array<i32>} : memref<688xf32, #tpu.memory_space<vmem>>, vector<16xf32>,
      tpu.vector_store %arg34[%swap3A_821], %div3A_820 {strides = array<i32>} : memref<688xf32, #tpu.memory_space<vmem>>, vector<16xf32>,
      %div3A_823 = arith.divf %sub3A_760, %get3A_309 : vector<16xf32>
      %swap3A_824 = arith.index_cast %mul3A_299 : i32 to index
      %swap3A_825 = tpu.vector_load %arg35[%swap3A_824] {strides = array<i32>} : memref<688xf32, #tpu.memory_space<vmem>>, vector<16xf32>,
      tpu.vector_store %arg35[%swap3A_824], %div3A_823 {strides = array<i32>} : memref<688xf32, #tpu.memory_space<vmem>>, vector<16xf32>,
      %div3A_826 = arith.divf %sub3A_761, %get3A_309 : vector<16xf32>
      %swap3A_827 = arith.index_cast %mul3A_299 : i32 to index
      %swap3A_828 = tpu.vector_load %arg36[%swap3A_827] {strides = array<i32>} : memref<688xf32, #tpu.memory_space<vmem>>, vector<16xf32>,
      tpu.vector_store %arg36[%swap3A_827], %div3A_826 {strides = array<i32>} : memref<688xf32, #tpu.memory_space<vmem>>, vector<16xf32>,
      %div3A_829 = arith.divf %sub3A_762, %get3A_309 : vector<16xf32>
      %swap3A_830 = arith.index_cast %mul3A_299 : i32 to index
      %swap3A_831 = tpu.vector_load %arg37[%swap3A_830] {strides = array<i32>} : memref<688xf32, #tpu.memory_space<vmem>>, vector<16xf32>,
      tpu.vector_store %arg37[%swap3A_830], %div3A_829 {strides = array<i32>} : memref<688xf32, #tpu.memory_space<vmem>>, vector<16xf32>,
    }
    %scan3A_272 = arith.constant 43 : i32
    %dma_start3A_273 = tpu.memref_slice %arg12[%min3A_3] : memref<21824xi32, #tpu.memory_space<hbm>> -> memref<688xi32, #tpu.memory_space<hbm>>
    %dma_start3A_274 = tpu.memref_slice %arg12[%min3A_3] : memref<21824xi32, #tpu.memory_space<hbm>> -> memref<688xi32, #tpu.memory_space<hbm>>
    tpu.enqueue_dma source(%arg33 : memref<688xi32, #tpu.memory_space<vmem>>) target(%dma_start3A_274 : memref<688xi32, #tpu.memory_space<hbm>>) target_semaphore(%arg39 : memref<!tpu.dma_semaphore, #tpu.memory_space<semaphore_mem>>)
    %dma_start3A_275 = tpu.memref_slice %arg13[%min3A_3] : memref<21824xf32, #tpu.memory_space<hbm>> -> memref<688xf32, #tpu.memory_space<hbm>>
    %dma_start3A_276 = tpu.memref_slice %arg13[%min3A_3] : memref<21824xf32, #tpu.memory_space<hbm>> -> memref<688xf32, #tpu.memory_space<hbm>>
    tpu.enqueue_dma source(%arg34 : memref<688xf32, #tpu.memory_space<vmem>>) target(%dma_start3A_276 : memref<688xf32, #tpu.memory_space<hbm>>) target_semaphore(%arg39 : memref<!tpu.dma_semaphore, #tpu.memory_space<semaphore_mem>>)
    %dma_start3A_277 = tpu.memref_slice %arg14[%min3A_3] : memref<21824xf32, #tpu.memory_space<hbm>> -> memref<688xf32, #tpu.memory_space<hbm>>
    %dma_start3A_278 = tpu.memref_slice %arg14[%min3A_3] : memref<21824xf32, #tpu.memory_space<hbm>> -> memref<688xf32, #tpu.memory_space<hbm>>
    tpu.enqueue_dma source(%arg35 : memref<688xf32, #tpu.memory_space<vmem>>) target(%dma_start3A_278 : memref<688xf32, #tpu.memory_space<hbm>>) target_semaphore(%arg39 : memref<!tpu.dma_semaphore, #tpu.memory_space<semaphore_mem>>)
    %dma_start3A_279 = tpu.memref_slice %arg15[%min3A_3] : memref<21824xf32, #tpu.memory_space<hbm>> -> memref<688xf32, #tpu.memory_space<hbm>>
    %dma_start3A_280 = tpu.memref_slice %arg15[%min3A_3] : memref<21824xf32, #tpu.memory_space<hbm>> -> memref<688xf32, #tpu.memory_space<hbm>>
    tpu.enqueue_dma source(%arg36 : memref<688xf32, #tpu.memory_space<vmem>>) target(%dma_start3A_280 : memref<688xf32, #tpu.memory_space<hbm>>) target_semaphore(%arg39 : memref<!tpu.dma_semaphore, #tpu.memory_space<semaphore_mem>>)
    %dma_start3A_281 = tpu.memref_slice %arg16[%min3A_3] : memref<21824xf32, #tpu.memory_space<hbm>> -> memref<688xf32, #tpu.memory_space<hbm>>
    %dma_start3A_282 = tpu.memref_slice %arg16[%min3A_3] : memref<21824xf32, #tpu.memory_space<hbm>> -> memref<688xf32, #tpu.memory_space<hbm>>
    tpu.enqueue_dma source(%arg37 : memref<688xf32, #tpu.memory_space<vmem>>) target(%dma_start3A_282 : memref<688xf32, #tpu.memory_space<hbm>>) target_semaphore(%arg39 : memref<!tpu.dma_semaphore, #tpu.memory_space<semaphore_mem>>)
    %dma_start3A_283 = tpu.memref_slice %arg17[%min3A_3] : memref<21824xf32, #tpu.memory_space<hbm>> -> memref<688xf32, #tpu.memory_space<hbm>>
    %dma_start3A_284 = tpu.memref_slice %arg17[%min3A_3] : memref<21824xf32, #tpu.memory_space<hbm>> -> memref<688xf32, #tpu.memory_space<hbm>>
    tpu.enqueue_dma source(%arg38 : memref<688xf32, #tpu.memory_space<vmem>>) target(%dma_start3A_284 : memref<688xf32, #tpu.memory_space<hbm>>) target_semaphore(%arg39 : memref<!tpu.dma_semaphore, #tpu.memory_space<semaphore_mem>>)
    %dma_wait3A_285 = tpu.memref_slice %arg12[%min3A_3] : memref<21824xi32, #tpu.memory_space<hbm>> -> memref<688xi32, #tpu.memory_space<hbm>>
    %dma_wait3A_286 = tpu.memref_slice %arg12[%min3A_3] : memref<21824xi32, #tpu.memory_space<hbm>> -> memref<688xi32, #tpu.memory_space<hbm>>
    tpu.wait_dma2 semaphore(%arg39 : memref<!tpu.dma_semaphore, #tpu.memory_space<semaphore_mem>>) src(%arg33 : memref<688xi32, #tpu.memory_space<vmem>>) dst(%dma_wait3A_286 : memref<688xi32, #tpu.memory_space<hbm>>)
    %dma_wait3A_287 = tpu.memref_slice %arg13[%min3A_3] : memref<21824xf32, #tpu.memory_space<hbm>> -> memref<688xf32, #tpu.memory_space<hbm>>
    %dma_wait3A_288 = tpu.memref_slice %arg13[%min3A_3] : memref<21824xf32, #tpu.memory_space<hbm>> -> memref<688xf32, #tpu.memory_space<hbm>>
    tpu.wait_dma2 semaphore(%arg39 : memref<!tpu.dma_semaphore, #tpu.memory_space<semaphore_mem>>) src(%arg34 : memref<688xf32, #tpu.memory_space<vmem>>) dst(%dma_wait3A_288 : memref<688xf32, #tpu.memory_space<hbm>>)
    %dma_wait3A_289 = tpu.memref_slice %arg14[%min3A_3] : memref<21824xf32, #tpu.memory_space<hbm>> -> memref<688xf32, #tpu.memory_space<hbm>>
    %dma_wait3A_290 = tpu.memref_slice %arg14[%min3A_3] : memref<21824xf32, #tpu.memory_space<hbm>> -> memref<688xf32, #tpu.memory_space<hbm>>
    tpu.wait_dma2 semaphore(%arg39 : memref<!tpu.dma_semaphore, #tpu.memory_space<semaphore_mem>>) src(%arg35 : memref<688xf32, #tpu.memory_space<vmem>>) dst(%dma_wait3A_290 : memref<688xf32, #tpu.memory_space<hbm>>)
    %dma_wait3A_291 = tpu.memref_slice %arg15[%min3A_3] : memref<21824xf32, #tpu.memory_space<hbm>> -> memref<688xf32, #tpu.memory_space<hbm>>
    %dma_wait3A_292 = tpu.memref_slice %arg15[%min3A_3] : memref<21824xf32, #tpu.memory_space<hbm>> -> memref<688xf32, #tpu.memory_space<hbm>>
    tpu.wait_dma2 semaphore(%arg39 : memref<!tpu.dma_semaphore, #tpu.memory_space<semaphore_mem>>) src(%arg36 : memref<688xf32, #tpu.memory_space<vmem>>) dst(%dma_wait3A_292 : memref<688xf32, #tpu.memory_space<hbm>>)
    %dma_wait3A_293 = tpu.memref_slice %arg16[%min3A_3] : memref<21824xf32, #tpu.memory_space<hbm>> -> memref<688xf32, #tpu.memory_space<hbm>>
    %dma_wait3A_294 = tpu.memref_slice %arg16[%min3A_3] : memref<21824xf32, #tpu.memory_space<hbm>> -> memref<688xf32, #tpu.memory_space<hbm>>
    tpu.wait_dma2 semaphore(%arg39 : memref<!tpu.dma_semaphore, #tpu.memory_space<semaphore_mem>>) src(%arg37 : memref<688xf32, #tpu.memory_space<vmem>>) dst(%dma_wait3A_294 : memref<688xf32, #tpu.memory_space<hbm>>)
    %dma_wait3A_295 = tpu.memref_slice %arg17[%min3A_3] : memref<21824xf32, #tpu.memory_space<hbm>> -> memref<688xf32, #tpu.memory_space<hbm>>
    %dma_wait3A_296 = tpu.memref_slice %arg17[%min3A_3] : memref<21824xf32, #tpu.memory_space<hbm>> -> memref<688xf32, #tpu.memory_space<hbm>>
    tpu.wait_dma2 semaphore(%arg39 : memref<!tpu.dma_semaphore, #tpu.memory_space<semaphore_mem>>) src(%arg38 : memref<688xf32, #tpu.memory_space<vmem>>) dst(%dma_wait3A_296 : memref<688xf32, #tpu.memory_space<hbm>>)
    return
  }
}

</mosaic_0001>

<sc_bundles>
// kernel: kernel.3.cloned.1.call-start
scs
__scs_entry_jumppad:
0x0: {  	(pc) =	sbr.rel $0x88, $3  }
0x1: {  	(tag) =	ssettag $0x0;
	lr =	simm.s32 $0x1  }
0x2: {  	[smem:$0x3F9C] =	sst lr;
	_ =	strace $0xD0000000  }
0x3: {  	_ = 	snop  }
0x4: {  	_ = 	snop  }
0x5: {  	_ = 	snop  }
0x6: {  	_ = 	snop  }
0x7: {  	_ = 	snop  }
__scs_overlays_trampoline_lowered:
0x8: {  	[smem:$0x3FAB] =	sst s0  }
0x9: {  	[smem:$0x3FAC] =	sst s1  }
0xa: {  	[smem:$0x3FAD] =	sst s2  }
0xb: {  	[smem:$0x3FAE] =	sst s3  }
0xc: {  	[smem:$0x3FAF] =	sst s4  }
0xd: {  	[smem:$0x3FB0] =	sst s5  }
0xe: {  	[smem:$0x3FB1] =	sst s6  }
0xf: {  	[smem:$0x3FB2] =	sst s7  }
0x10: {  	[smem:$0x3FB3] =	sst s8  }
0x11: {  	[smem:$0x3FB4] =	sst s9;
	s0 =	simm.s32 @!p0 $0x0  }
0x12: {  	s1 =	sld [smem:$0x3F9A];
	s0 =	simm.s32 @p0 $0x1  }
0x13: {  	[smem:$0x3FB5] =	sst s0;
	s0 =	simm.s32 @!p1 $0x0  }
0x14: {  	s2 =	sld [smem:$0x3F99];
	s0 =	simm.s32 @p1 $0x1  }
0x15: {  	[smem:$0x3FB6] =	sst s0;
	s0 =	simm.s32 @!p2 $0x0  }
0x16: {  	s3 =	sld [smem:$0x3FDB];
	s0 =	simm.s32 @p2 $0x1  }
0x17: {  	s4 =	simm.s32 $0x1BF5;
	[smem:$0x3FB8] =	sst s0  }
0x18: {  	s0 =	sld [smem:$0x3F9B];
	_ =	swait.ge [sflag:s4], $0x0  }
0x19: {  	s7 =	sld [smem:$0x3F9C]  }
0x1a: {  	s8 =	sadd.s32 $0xFFFFE003, lr  }
0x1b: {  	s9 =	sadd.s32 $0xFFFFFEF7, lr;
	s5 =	simm.s32 $0xFFFFFFFF;
	p2 =	slt.u32 s8, $0xFFFFF086  }
0x1c: {  	p1 =	slt.u32 s9, $0xF7A;
	s5 =	simm.s32 @!p2 $0x0  }
0x1d: {  	s5 =	simm.s32 @p1 $0x1;
	p0 =	seq.s32 s7, s2  }
0x1e: {  	s7 =	smul.u32 @!p0 $0xF7A, s2;
	p2 =	seq.s32 @!p0 s5, $0x0  }
0x1f: {  	s9 =	smul.u32 $0xF7A, s1;
	s8 =	simm.s32 @!p0 $0x1BF5;
	p2 =	por !p2, p0  }
0x20: {  	[sflag:s8] =	ssyncset.s32 @!p0 $0xFFFFF086;
	s6 =	sadd.s32 @!p0 s3, s7;
	s7 =	simm.s32 @!p0 $0x108  }
0x21: {  	s3 =	sadd.s32 s3, s9;
	s6 =	sadd.s32 @!p0 $0x88, s6;
	s7 =	simm.s32 @p2 $0x1082  }
0x22: {  	[simem:s7], [sflag:s8] =	dma.local @!p0 [hbm:s6], $0xF7A  }
0x23: {  	s9 =	sor.u32 $0xD0000000, s2;
	s6 =	simm.s32 $0x108;
	_ =	swait.ge @!p0 [sflag:s8], $0x0  }
0x24: {  	s3 =	sadd.s32 $0x88, s3;
	s6 =	simm.s32 @!p1 $0x1082;
	[sflag:s4] =	ssyncset.s32 $0xFFFFF086  }
0x25: {  	[simem:s6], [sflag:s4] =	dma.local [hbm:s3], $0xF7A  }
0x26: {  	[smem:$0x3F9C] =	sst s1;
	(tag) =	ssettag s2;
	_ =	strace s9  }
0x27: {  	s1 =	sld [smem:$0x3FAC]  }
0x28: {  	s2 =	sld [smem:$0x3FAD]  }
0x29: {  	s4 =	sld [smem:$0x3FAF]  }
0x2a: {  	p0 =	seq.s32 s5, $0x0;
	s5 =	sld [smem:$0x3FB0]  }
0x2b: {  	s6 =	sld [smem:$0x3FB1]  }
0x2c: {  	s7 =	sld [smem:$0x3FB2]  }
0x2d: {  	s3 =	simm.s32 $0x108;
	s8 =	sld [smem:$0x3FB3]  }
0x2e: {  	s3 =	simm.s32 @!p0 $0x1082;
	s9 =	sld [smem:$0x3FB4]  }
0x2f: {  	lr =	sadd.s32 s0, s3;
	s0 =	sld [smem:$0x3FAB]  }
0x30: {  	s3 =	sld [smem:$0x3FAE]  }
0x31: {  	[smem:$0x3FB7] =	sst s10  }
0x32: {  	s10 =	sld [smem:$0x3FB5];
	_ =	sdelay $0x3  }
0x33: {  	p0 =	seq.s32 s10, $0x1;
	s10 =	sld [smem:$0x3FB7];
	_ =	sdelay $0x3  }
0x34: {  	[smem:$0x3FB7] =	sst s10  }
0x35: {  	s10 =	sld [smem:$0x3FB6];
	_ =	sdelay $0x3  }
0x36: {  	p1 =	seq.s32 s10, $0x1;
	s10 =	sld [smem:$0x3FB7];
	_ =	sdelay $0x3  }
0x37: {  	[smem:$0x3FB7] =	sst s10  }
0x38: {  	s10 =	sld [smem:$0x3FB8]  }
0x39: {  	_ = 	snop;
	(pc) =	sbr.ind lr, $3  }
0x3a: {  	_ = 	snop  }
0x3b: {  	_ = 	snop  }
0x3c: {  	p2 =	seq.s32 s10, $0x1;
	s10 =	sld [smem:$0x3FB7]  }
0x3d: {  	_ =	shalt  }
0x3e: {  	_ =	shalt  }
0x3f: {  	_ =	shalt  }
0x40: {  	_ =	shalt  }
0x41: {  	_ =	shalt  }
0x42: {  	_ =	shalt  }
0x43: {  	_ =	shalt  }
0x44: {  	_ =	shalt  }
0x45: {  	_ =	shalt  }
0x46: {  	_ =	shalt  }
0x47: {  	_ =	shalt  }
0x48: {  	_ =	shalt  }
0x49: {  	_ =	shalt  }
0x4a: {  	_ =	shalt  }
0x4b: {  	_ =	shalt  }
0x4c: {  	_ =	shalt  }
0x4d: {  	_ =	shalt  }
0x4e: {  	_ =	shalt  }
0x4f: {  	_ =	shalt  }
0x50: {  	_ =	shalt  }
0x51: {  	_ =	shalt  }
0x52: {  	_ =	shalt  }
0x53: {  	_ =	shalt  }
0x54: {  	_ =	shalt  }
0x55: {  	_ =	shalt  }
0x56: {  	_ =	shalt  }
0x57: {  	_ =	shalt  }
0x58: {  	_ =	shalt  }
0x59: {  	_ =	shalt  }
0x5a: {  	_ =	shalt  }
0x5b: {  	_ =	shalt  }
0x5c: {  	_ =	shalt  }
0x5d: {  	_ =	shalt  }
0x5e: {  	_ =	shalt  }
0x5f: {  	_ =	shalt  }
0x60: {  	_ =	shalt  }
0x61: {  	_ =	shalt  }
0x62: {  	_ =	shalt  }
0x63: {  	_ =	shalt  }
0x64: {  	_ =	shalt  }
0x65: {  	_ =	shalt  }
0x66: {  	_ =	shalt  }
0x67: {  	_ =	shalt  }
0x68: {  	_ =	shalt  }
0x69: {  	_ =	shalt  }
0x6a: {  	_ =	shalt  }
0x6b: {  	_ =	shalt  }
0x6c: {  	_ =	shalt  }
0x6d: {  	_ =	shalt  }
0x6e: {  	_ =	shalt  }
0x6f: {  	_ =	shalt  }
0x70: {  	_ =	shalt  }
0x71: {  	_ =	shalt  }
0x72: {  	_ =	shalt  }
0x73: {  	_ =	shalt  }
0x74: {  	_ =	shalt  }
0x75: {  	_ =	shalt  }
0x76: {  	_ =	shalt  }
0x77: {  	_ =	shalt  }
0x78: {  	_ =	shalt  }
0x79: {  	_ =	shalt  }
0x7a: {  	_ =	shalt  }
0x7b: {  	_ =	shalt  }
0x7c: {  	_ =	shalt  }
0x7d: {  	_ =	shalt  }
0x7e: {  	_ =	shalt  }
0x7f: {  	_ =	shalt  }
0x80: {  	_ =	shalt  }
0x81: {  	_ =	shalt  }
0x82: {  	_ =	shalt  }
0x83: {  	_ =	shalt  }
0x84: {  	_ =	shalt  }
0x85: {  	_ =	shalt  }
0x86: {  	_ =	shalt  }
0x87: {  	_ =	shalt  }
.Lfunc_end0:
.L_simem_size_0:
called_computation_lowered:
.L_overlay_start_0:
0x88: {  	s2 =	sld [smem:$0x3FD9]  }
0x89: {  	s3 =	sld [smem:$0x3FFE];
	_ =	sdelay $0x1  }
0x8a: {  	s1 =	srdreg.scid  }
0x8b: {  	s0 =	sand.u32 $0x1, s1  }
0x8c: {  	s14 =	sshll.u32 s0, $0xA;
	s2 =	sadd.s32 s3, s2  }
0x8d: {  	s2 =	sadd.s32 s2, s14  }
0x8e: {  	[smem:$0x3FC3] =	sst s2  }
0x8f: {  	_ = 	snop  }
0x90: {  	s2 =	sld [smem:$0x3FD0];
	_ =	sdelay $0x1  }
0x91: {  	s15 =	sld [smem:$0x3FC7]  }
0x92: {  	s5 =	simm.s32 $0xA;
	s6 =	simm.s32 $0x10;
	s4 =	sld [smem:$0x3FC5]  }
0x93: {  	[smem:s6], [sflag:s5] =	dma.local [hbm:s2], $0x1  }
0x94: {  	_ =	swait.eq [sflag:s5], $0x1  }
0x95: {  	s16 =	sld [smem:$0x10];
	[sflag:s5] =	ssyncset.done $0x0  }
0x96: {  	s17 =	sld [smem:$0x11];
	[sflag:s5] =	ssyncadd.s32 $0xFFFFFFFF  }
0x97: {  	s18 =	sld [smem:$0x12];
	(tm) =	ssettm $0x1  }
0x98: {  	s7 =	sld [smem:$0x3FFB];
	_ =	sdelay $0x3  }
0x99: {  	_ =	strace s7  }
0x9a: {  	s7 =	sld [smem:$0x3FFC];
	_ =	sdelay $0x3  }
0x9b: {  	_ =	strace s7  }
0x9c: {  	s7 =	sld [smem:$0x3FFD];
	_ =	sdelay $0x3  }
0x9d: {  	_ =	strace s7  }
0x9e: {  	_ =	strace $0x8FFFFFFF  }
0x9f: {  	s19 =	sld [smem:$0x3FDB];
	_ =	sdelay $0x1  }
0xa0: {  	s8 =	simm.s32 $_scs_section_size  }
0xa1: {  	s9 =	simm.s32 $_size__tile_overlayer_lowered;
	s10 =	simm.s32 $_tile_overlayer_lowered  }
0xa2: {  	s22 =	simm.s32 $0x1BFF;
	s21 =	sshll.u32 s10, $0x1;
	s7 =	sadd.s32 s8, s19  }
0xa3: {  	s11 =	simm.s32 $0x0;
	s20 =	sshll.u32 s9, $0x1;
	s9 =	sadd.s32 s21, s7  }
0xa4: {  	[timem:s11], [sflag:s22] =	dma.local [hbm:s9], s20  }
0xa5: {  	_ =	swait.ge [sflag:s22], s20  }
0xa6: {  	s8 =	ssub.s32 $0x0, s20;
	[sflag:s22] =	ssyncset.done $0x0  }
0xa7: {  	[sflag:s22] =	ssyncadd.s32 s8;
	_ =	sdelay $0x1  }
0xa8: {  	s23 =	simm.s32 $0x1B8B  }
0xa9: {  	_ =	swait.ge [sflag:s23], $0x1  }
0xaa: {  	[sflag:s23] =	ssyncset.done $0x0  }
0xab: {  	s25 =	simm.s32 $0x1B8E;
	s24 =	sld [smem:$0x3FFE];
	[sflag:s23] =	ssyncadd.s32 $0xFFFFFFFF  }
0xac: {  	s26 =	simm.s32 $execute0_lowered;
	[smem:$0x3FD2] =	sst s25  }
0xad: {  	s9 =	sshll.u32 s26, $0x1;
	_ =	strace $0x80000046;
	[dreg:$0x1] =	wrdreg $0xFFFFFFFF  }
0xae: {  	s28 =	simm.s32 $_size_execute0_lowered;
	s7 =	sadd.s32 s7, s9;
	[dreg:$0x0] =	wrdreg $0x0  }
0xaf: {  	s9 =	sshll.u32 s28, $0x1;
	[dreg:$0x2] =	wrdreg s7  }
0xb0: {  	[dreg:$0x3] =	wrdreg s9  }
0xb1: {  	[dreg:$0x4] =	wrdreg $0xC0  }
0xb2: {  	_ =	task [dreg:s11], $0x5FFFF  }
0xb3: {  	[dreg:$0x1] =	wrdreg $0xFFFFFFFF  }
0xb4: {  	[dreg:$0x0] =	wrdreg $0x60  }
0xb5: {  	[dreg:$0x2] =	wrdreg s24  }
0xb6: {  	[dreg:$0x3] =	wrdreg s17  }
0xb7: {  	[dreg:$0x4] =	wrdreg s4  }
0xb8: {  	[dreg:$0x5] =	wrdreg s15  }
0xb9: {  	[dreg:$0x6] =	wrdreg s16  }
0xba: {  	[dreg:$0x7] =	wrdreg s18  }
0xbb: {  	[dreg:$0x8] =	wrdreg $0x9  }
0xbc: {  	_ =	task.clear_ibuf [dreg:s11], $0x9FFFF;
	_ =	strace $0x90000046  }
0xbd: {  	s29 =	simm.s32 $0x9;
	_ =	strace $0x80000048  }
0xbe: {  	_ =	swait.ge [sflag:s29], $0x1  }
0xbf: {  	[sflag:s29] =	ssyncadd.s32 $0xFFFFFFFF  }
0xc0: {  	_ =	strace $0x90000048  }
0xc1: {  	_ =	sfence  }
0xc2: {  	s30 =	sld [smem:$0x0];
	_ =	sdelay $0x2  }
0xc3: {  	s31 =	sshll.u32 s1, $0xD;
	s1 =	sshrl.u32 s1, $0x2  }
0xc4: {  	s3 =	sand.u32 $0x4000, s31;
	s1 =	sadd.s32 s1, s30  }
0xc5: {  	s0 =	sor.u32 s3, s0;
	s1 =	sshll.u32 s1, $0x11  }
0xc6: {  	s0 =	sor.u32 s1, s0  }
0xc7: {  	s0 =	sadd.s32 $0x8F2B, s0  }
0xc8: {  	[sflag:s0] =	ssyncadd.remote.s32 $0x1  }
0xc9: {  	_ =	sfence.sel $0xFFFF  }
0xca: {  	[dreg:$0x0] =	wrdreg $0xFFFFFFFF;
	(pc) =	sbr.abs _section_cstart, $3  }
0xcb: {  	[dreg:$0x1] =	wrdreg $0xFFFFFFFF  }
0xcc: {  	_ =	task.clear_ibuf [dreg:s11], $0x2FFFF;
	_ =	strace $0x9FFFFFFF  }
0xcd: {  	(tm) =	ssettm $0x7FFFFFFF  }
tec
execute0_lowered:
.L_overlay_start_1:
0x0: {  	(tag) =	ssettag $0x1  }
0x1: {  	s9 =	rddreg [dreg:$0x0]  }
0x2: {  	s0 =	rddreg [dreg:$0x1]  }
0x3: {  	s1 =	rddreg [dreg:$0x2]  }
0x4: {  	s2 =	rddreg [dreg:$0x4]  }
0x5: {  	s3 =	srdreg.scid;
	s4 =	stileid.u32  }
0x6: {  	s18 =	rddreg [dreg:$0x5];
	s24 =	simm.s32 $0xD70;
	s25 =	simm.s32 $0xDE0  }
0x7: {  	s28 =	simm.s32 $0xEC0;
	s29 =	simm.s32 $0xF30;
	s30 =	simm.s32 $0x1  }
0x8: {  	s31 =	simm.s32 $0x1160;
	s3 =	sand.u32 $0x1, s3;
	s5 =	sshll.u32 s4, $0x1  }
0x9: {  	s22 =	simm.s32 $0x0;
	s4 =	simm.s32 $0x0;
	s5 =	sor.u32 s3, s5  }
0xa: {  	s26 =	sadd.s32 $0x600, s9;
	[smem:$0x7FF] =	sst s4;
	s6 =	smul.u32 $0x2B0, s5  }
0xb: {  	s3 =	ssub.s32 $0x2, s3;
	_ =	strace $0x80000047;
	[dreg:$0x7] =	wrdreg s26  }
0xc: {  	s8 =	sshrl.u32 s3, $0x1;
	s26 =	simm.s32 $0xE50;
	s7 =	smin.u32 s6, $0x5290  }
0xd: {  	s3 =	ssub.s32 s3, s8;
	s6 =	sadd.s32 $0x400, s9;
	s19 =	sshrl.u32 s7, $0x3  }
0xe: {  	s7 =	sadd.s32 $0x200, s9;
	s17 =	sadd.s32 s19, s9;
	s9 =	sadd.s32 s0, s19  }
.Ltmp0:
0xf: {  	s10 =	sadd.s32 s1, s19;
	s13 =	sadd.s32 s2, s19;
	(pc) =	sbr.rel .LBB2_1-.Ltmp0, $4  }
0x10: {  	v0 =	vlaneseq.u32;
	s18 =	sadd.s32 s18, s19;
	s19 =	smax.u32 s3, $0x1;
	s3 =	simm.s32 $0xFA0  }
0x11: {  	vm0 =	vmmov $0xffff;
	v1 =	vimm.s32 $0x0;
	vm1 =	vmmov $0xf;
	s1 =	simm.s32 $0x1010;
	s2 =	simm.s32 $0x1080;
	s8 =	sadd.s32 $0x800, s17  }
0x12: {  	v2 =	vor.u32 $0x10, v0;
	v3 =	vor.u32 $0x20, v0;
	v4 =	vor.u32 $0x30, v0;
	s11 =	sadd.s32 $0x2000, s17;
	s12 =	sadd.s32 $0x1400, s17;
	s14 =	sadd.s32 $0x2C00, s17  }
0x13: {  	v5 =	vor.u32 $0x40, v0;
	v6 =	vor.u32 $0x50, v0;
	v7 =	vor.u32 $0x60, v0;
	s15 =	sadd.s32 $0x3800, s17;
	s16 =	sadd.s32 $0x4400, s17;
	s17 =	sadd.s32 $0x5000, s17  }
.LBB2_16:
0x14: {  	s0 =	simm.s32 $0x11E0  }
0x15: {  	[hbm4b:s13+s4] =	stream.linear.scatter [tilespmem:s0], [sflag:$0x1], $0x2B0, $0x38;
	[tilespmem:$0x2200] =	vst v63  }
0x16: {  	s23 =	simm.s32 $0x1490  }
0x17: {  	[hbm4b:s14+s4] =	stream.linear.scatter [tilespmem:s23], [sflag:$0x1], $0x2B0, $0x38;
	[tilespmem:$0x2200] =	vst v63  }
0x18: {  	s5 =	simm.s32 $0x1740  }
0x19: {  	[hbm4b:s15+s4] =	stream.linear.scatter [tilespmem:s5], [sflag:$0x1], $0x2B0, $0x38;
	[tilespmem:$0x2200] =	vst v63  }
0x1a: {  	s20 =	simm.s32 $0x19F0  }
0x1b: {  	[hbm4b:s16+s4] =	stream.linear.scatter [tilespmem:s20], [sflag:$0x1], $0x2B0, $0x38;
	[tilespmem:$0x2200] =	vst v63  }
0x1c: {  	s21 =	simm.s32 $0x1CA0  }
0x1d: {  	[hbm4b:s17+s4] =	stream.linear.scatter [tilespmem:s21], [sflag:$0x1], $0x2B0, $0x38;
	[tilespmem:$0x2200] =	vst v63  }
0x1e: {  	s23 =	simm.s32 $0x1F50  }
0x1f: {  	[hbm4b:s18+s4] =	stream.linear.scatter [tilespmem:s23], [sflag:$0x1], $0x2B0, $0x38;
	[tilespmem:$0x2200] =	vst v63  }
0x20: {  	_ =	swait.ge [sflag:s30], $0x2B0  }
0x21: {  	[sflag:s30] =	ssyncset.done $0x0  }
0x22: {  	[sflag:s30] =	ssyncadd.s32 $0xFFFFFD50  }
0x23: {  	_ =	swait.ge [sflag:s30], $0x2B0  }
0x24: {  	[sflag:s30] =	ssyncset.done $0x0  }
0x25: {  	[sflag:s30] =	ssyncadd.s32 $0xFFFFFD50  }
0x26: {  	_ =	swait.ge [sflag:s30], $0x2B0  }
0x27: {  	[sflag:s30] =	ssyncset.done $0x0  }
0x28: {  	[sflag:s30] =	ssyncadd.s32 $0xFFFFFD50  }
0x29: {  	_ =	swait.ge [sflag:s30], $0x2B0  }
0x2a: {  	[sflag:s30] =	ssyncset.done $0x0  }
0x2b: {  	s22 =	sadd.s32 $0x1, s22;
	[sflag:s30] =	ssyncadd.s32 $0xFFFFFD50  }
0x2c: {  	p0 =	sne.s32 s22, s19;
	_ =	swait.ge [sflag:s30], $0x2B0  }
.Ltmp1:
0x2d: {  	[sflag:s30] =	ssyncset.done $0x0;
	(pc) =	sbr.rel @!p0 .LBB2_17-.Ltmp1, $4  }
0x2e: {  	[sflag:s30] =	ssyncadd.s32 $0xFFFFFD50  }
0x2f: {  	_ =	swait.ge [sflag:s30], $0x2B0  }
0x30: {  	[sflag:s30] =	ssyncset.done $0x0  }
0x31: {  	[sflag:s30] =	ssyncadd.s32 $0xFFFFFD50  }
.LBB2_1:
0x32: {  	[tilespmem:s4], [sflag:$0x1] =	stream.linear.gather [hbm4b:s8+s4], $0x2B0, $0x38;
	[tilespmem:$0x2200] =	vst v63  }
0x33: {  	s0 =	simm.s32 $0x2B0  }
0x34: {  	[tilespmem:s0], [sflag:$0x1] =	stream.linear.gather [hbm4b:s9+s4], $0x2B0, $0x38;
	[tilespmem:$0x2200] =	vst v63  }
0x35: {  	s21 =	simm.s32 $0x560  }
0x36: {  	[tilespmem:s21], [sflag:$0x1] =	stream.linear.gather [hbm4b:s10+s4], $0x2B0, $0x38;
	[tilespmem:$0x2200] =	vst v63  }
0x37: {  	s23 =	simm.s32 $0x810  }
0x38: {  	[tilespmem:s23], [sflag:$0x1] =	stream.linear.gather [hbm4b:s11+s4], $0x2B0, $0x38;
	[tilespmem:$0x2200] =	vst v63  }
0x39: {  	s5 =	simm.s32 $0xAC0  }
0x3a: {  	[tilespmem:s5], [sflag:$0x1] =	stream.linear.gather [hbm4b:s12+s4], $0x2B0, $0x38;
	[tilespmem:$0x2200] =	vst v63  }
0x3b: {  	s20 =	rddreg [dreg:$0x7]  }
0x3c: {  	[tilespmem:s24], [sflag:$0x1] =	stream.linear.gather [hbm4b:s20+s4], $0x64, $0x38;
	[tilespmem:$0x2200] =	vst v63  }
0x3d: {  	_ = 	snop  }
0x3e: {  	[tilespmem:s25], [sflag:$0x1] =	stream.linear.gather [hbm4b:s6+s4], $0x64, $0x38;
	[tilespmem:$0x2200] =	vst v63  }
0x3f: {  	_ = 	snop  }
0x40: {  	[tilespmem:s26], [sflag:$0x1] =	stream.linear.gather [hbm4b:s7+s4], $0x64, $0x38;
	[tilespmem:$0x2200] =	vst v63  }
0x41: {  	s21 =	rddreg [dreg:$0x0]  }
0x42: {  	[tilespmem:s28], [sflag:$0x1] =	stream.linear.gather [hbm4b:s21+s4], $0x64, $0x38;
	[tilespmem:$0x2200] =	vst v63  }
0x43: {  	s23 =	rddreg [dreg:$0x3]  }
0x44: {  	[tilespmem:s29], [sflag:$0x1] =	stream.linear.gather [hbm4b:s23+s4], $0x64, $0x38;
	[tilespmem:$0x2200] =	vst v63  }
0x45: {  	_ =	swait.ge [sflag:s30], $0x2B0  }
0x46: {  	[sflag:s30] =	ssyncset.done $0x0  }
0x47: {  	[sflag:s30] =	ssyncadd.s32 $0xFFFFFD50  }
0x48: {  	_ =	swait.ge [sflag:s30], $0x2B0  }
0x49: {  	[sflag:s30] =	ssyncset.done $0x0  }
0x4a: {  	[sflag:s30] =	ssyncadd.s32 $0xFFFFFD50  }
0x4b: {  	_ =	swait.ge [sflag:s30], $0x2B0  }
0x4c: {  	[sflag:s30] =	ssyncset.done $0x0  }
0x4d: {  	[sflag:s30] =	ssyncadd.s32 $0xFFFFFD50  }
0x4e: {  	_ =	swait.ge [sflag:s30], $0x2B0  }
0x4f: {  	[sflag:s30] =	ssyncset.done $0x0  }
0x50: {  	[sflag:s30] =	ssyncadd.s32 $0xFFFFFD50  }
0x51: {  	_ =	swait.ge [sflag:s30], $0x2B0  }
0x52: {  	[sflag:s30] =	ssyncset.done $0x0  }
0x53: {  	[sflag:s30] =	ssyncadd.s32 $0xFFFFFD50  }
0x54: {  	_ =	swait.ge [sflag:s30], $0x64  }
0x55: {  	[sflag:s30] =	ssyncset.done $0x0  }
0x56: {  	[sflag:s30] =	ssyncadd.s32 $0xFFFFFF9C  }
0x57: {  	_ =	swait.ge [sflag:s30], $0x64  }
0x58: {  	[sflag:s30] =	ssyncset.done $0x0  }
0x59: {  	[sflag:s30] =	ssyncadd.s32 $0xFFFFFF9C  }
0x5a: {  	_ =	swait.ge [sflag:s30], $0x64  }
0x5b: {  	[sflag:s30] =	ssyncset.done $0x0  }
0x5c: {  	[sflag:s30] =	ssyncadd.s32 $0xFFFFFF9C  }
0x5d: {  	_ =	swait.ge [sflag:s30], $0x64  }
0x5e: {  	[sflag:s30] =	ssyncset.done $0x0  }
0x5f: {  	[sflag:s30] =	ssyncadd.s32 $0xFFFFFF9C  }
0x60: {  	_ =	swait.ge [sflag:s30], $0x64  }
0x61: {  	[sflag:s30] =	ssyncset.done $0x0  }
0x62: {  	[sflag:s30] =	ssyncadd.s32 $0xFFFFFF9C  }
0x63: {  	v8 =	vld [tilespmem:$0xD70]  }
0x64: {  	v9 =	vld [tilespmem:$0xDE0]  }
0x65: {  	v10 =	vld [tilespmem:$0xE50]  }
0x66: {  	v11 =	vld [tilespmem:$0xEC0]  }
0x67: {  	v12 =	vld [tilespmem:$0xD80]  }
0x68: {  	v13 =	vld [tilespmem:$0xDF0]  }
0x69: {  	v14 =	vld [tilespmem:$0xE60]  }
0x6a: {  	v16 =	vld [tilespmem:$0xED0]  }
0x6b: {  	v18 =	vld [tilespmem:$0xD90]  }
0x6c: {  	v56 =	vld [tilespmem:$0xE00]  }
0x6d: {  	v58 =	vld [tilespmem:$0xE70]  }
0x6e: {  	v20 =	vld [tilespmem:$0xEE0];
	v15 =	vadd.f32 v10, v8;
	v17 =	vadd.f32 v11, v9  }
0x6f: {  	v61 =	vld [tilespmem:$0xDA0];
	v8 =	vsub.f32 v10, v8;
	v9 =	vsub.f32 v11, v9  }
0x70: {  	v24 =	vld [tilespmem:$0xE80]  }
0x71: {  	v29 =	vld [tilespmem:$0xDB0];
	v15 =	vmul.f32 $5.000000000e-01, v15;
	v59 =	vmul.f32 v9, v8;
	v8 =	vmax.f32 v8, v9  }
0x72: {  	v33 =	vld [tilespmem:$0xE90];
	v19 =	vadd.f32 v14, v12;
	v60 =	vadd.f32 v16, v13;
	v57 =	vmul.f32 $5.000000000e-01, v17;
	[tilespmem:$0x10F0] =	vst v8  }
0x73: {  	v63 =	vld [tilespmem:$0xE10];
	v12 =	vsub.f32 v14, v12;
	v13 =	vsub.f32 v16, v13;
	[tilespmem:$0xFA0] =	vst v15  }
0x74: {  	v27 =	vld [tilespmem:$0xEF0];
	v26 =	vadd.f32 v58, v18;
	v62 =	vmul.f32 $5.000000000e-01, v19;
	[tilespmem:$0x1010] =	vst v57  }
0x75: {  	v38 =	vld [tilespmem:$0xDC0];
	v31 =	vsub.f32 v58, v18;
	v10 =	vsub.f32 v20, v56;
	v25 =	vmul.f32 v13, v12;
	[tilespmem:$0x1080] =	vst v59  }
0x76: {  	v42 =	vld [tilespmem:$0xEA0];
	v35 =	vadd.f32 v24, v61;
	v30 =	vmul.f32 $5.000000000e-01, v26;
	[tilespmem:$0xFB0] =	vst v62  }
0x77: {  	v44 =	vadd.f32 v33, v29;
	v34 =	vmul.f32 v10, v31;
	[tilespmem:$0x1090] =	vst v25  }
0x78: {  	v47 =	vld [tilespmem:$0xDD0];
	v39 =	vmul.f32 $5.000000000e-01, v35;
	[tilespmem:$0xFC0] =	vst v30  }
0x79: {  	v51 =	vld [tilespmem:$0xEB0];
	v48 =	vmul.f32 $5.000000000e-01, v44;
	[tilespmem:$0x10A0] =	vst v34  }
0x7a: {  	v40 =	vsub.f32 v27, v63;
	v9 =	vsub.f32 v24, v61;
	v8 =	vmul.f32 $5.000000000e-01, v60;
	[tilespmem:$0xFD0] =	vst v39  }
0x7b: {  	v32 =	vld [tilespmem:$0xE20];
	v53 =	vadd.f32 v42, v38;
	[tilespmem:$0xFE0] =	vst v48  }
0x7c: {  	v36 =	vld [tilespmem:$0xF00];
	v28 =	vadd.f32 v20, v56;
	v43 =	vmul.f32 v40, v9;
	[tilespmem:$0x1020] =	vst v8;
	v8 =	vmax.f32 v12, v13  }
0x7d: {  	v57 =	vmul.f32 $5.000000000e-01, v53;
	[tilespmem:$0x1100] =	vst v8  }
0x7e: {  	v41 =	vld [tilespmem:$0xE30];
	v59 =	vadd.f32 v51, v47;
	v8 =	vmul.f32 $5.000000000e-01, v28;
	[tilespmem:$0x10B0] =	vst v43  }
0x7f: {  	v45 =	vld [tilespmem:$0xF10];
	v37 =	vadd.f32 v27, v63;
	[tilespmem:$0xFF0] =	vst v57  }
0x80: {  	v62 =	vmul.f32 $5.000000000e-01, v59;
	[tilespmem:$0x1030] =	vst v8;
	v8 =	vmax.f32 v31, v10  }
0x81: {  	v50 =	vld [tilespmem:$0xE40];
	v49 =	vsub.f32 v36, v32;
	v12 =	vsub.f32 v33, v29;
	[tilespmem:$0x1110] =	vst v8;
	v8 =	vmul.f32 $5.000000000e-01, v37  }
0x82: {  	v54 =	vld [tilespmem:$0xF20];
	v46 =	vadd.f32 v36, v32;
	[tilespmem:$0x1000] =	vst v62  }
0x83: {  	v52 =	vmul.f32 v49, v12;
	[tilespmem:$0x1040] =	vst v8;
	v8 =	vmax.f32 v9, v40  }
0x84: {  	v56 =	vsub.f32 v45, v41;
	v10 =	vsub.f32 v42, v38;
	[tilespmem:$0x1120] =	vst v8;
	v8 =	vmul.f32 $5.000000000e-01, v46  }
0x85: {  	v55 =	vadd.f32 v45, v41;
	[tilespmem:$0x10C0] =	vst v52  }
0x86: {  	v58 =	vmul.f32 v56, v10;
	[tilespmem:$0x1050] =	vst v8;
	v8 =	vmax.f32 v12, v49  }
0x87: {  	v61 =	vsub.f32 v54, v50;
	v9 =	vsub.f32 v51, v47;
	[tilespmem:$0x1130] =	vst v8;
	v8 =	vmul.f32 $5.000000000e-01, v55  }
0x88: {  	v60 =	vadd.f32 v54, v50;
	[tilespmem:$0x10D0] =	vst v58  }
.Ltmp2:
0x89: {  	v63 =	vmul.f32 v61, v9;
	[tilespmem:$0x1060] =	vst v8;
	v8 =	vmax.f32 v10, v56;
	(pc) =	sbr.rel .LBB2_2-.Ltmp2, $4  }
0x8a: {  	[tilespmem:$0x1140] =	vst v8;
	v8 =	vmul.f32 $5.000000000e-01, v60  }
0x8b: {  	[tilespmem:$0x10E0] =	vst v63  }
0x8c: {  	[tilespmem:$0x1070] =	vst v8;
	v8 =	vmax.f32 v9, v61  }
0x8d: {  	s23 =	simm.s32 $0x0;
	[tilespmem:$0x1150] =	vst v8  }
.LBB2_3:
0x8e: {  	vm2 =	vmmov vm0  }
.LBB2_15:
0x8f: {  	_ =	sdelay $0x3  }
0x90: {  	v11 =	vld.idx.msk [tilespmem:v14+s24+$0x0], $0xffff  }
0x91: {  	v12 =	vld.idx.msk [tilespmem:v14+s25+$0x0], $0xffff  }
0x92: {  	v13 =	vld.idx.msk [tilespmem:v14+s26+$0x0], $0xffff  }
0x93: {  	v15 =	vld.idx.msk [tilespmem:v14+s28+$0x0], $0xffff;
	_ =	sdelay $0x3  }
0x94: {  	v11 =	vsub.f32 v10, v11;
	v52 =	vsub.f32 v13, v10  }
0x95: {  	v12 =	vsub.f32 v9, v12;
	v53 =	vsub.f32 v15, v9  }
0x96: {  	v13 =	vmax.f32 v11, v52  }
0x97: {  	v15 =	vmax.f32 v12, v53;
	v13 =	vmax.f32 v13, $9.999999970e-07  }
0x98: {  	v54 =	vmax.f32 v15, $9.999999970e-07;
	(erf) = vrcp.f32 v13  }
0x99: {  	(erf) = vrcp.f32 v54;
	_ =	sdelay $0x7  }
0x9a: {  	v55 =	vpop (erf)  }
0x9b: {  	v56 =	vmin.f32 v11, v52;
	v16 =	vmin.f32 v12, v53;
	v17 =	vpop (erf)  }
0x9c: {  	v13 =	vmul.f32 v55, v56;
	v57 =	vmul.f32 v17, v16;
	_ =	sdelay $0x1  }
0x9d: {  	v13 =	vmul.f32 v57, v13;
	_ =	sdelay $0x1  }
0x9e: {  	v13 =	vmax.f32 v13, $9.999999960e-13  }
0x9f: {  	v58 =	vshra.s32 v13, $0x1;
	v59 =	vmul.f32 $5.000000000e-01, v13  }
0xa0: {  	v15 =	vsub.s32 $0x5F3759DF, v58  }
0xa1: {  	v60 =	vmul.f32 v15, v59;
	_ =	sdelay $0x1  }
0xa2: {  	v17 =	vmul.f32 v15, v60;
	_ =	sdelay $0x1  }
0xa3: {  	v17 =	vsub.f32 $1.500000000e+00, v17;
	_ =	sdelay $0x1  }
0xa4: {  	v15 =	vmul.f32 v15, v17;
	_ =	sdelay $0x1  }
0xa5: {  	v17 =	vmul.f32 v15, v59;
	_ =	sdelay $0x1  }
0xa6: {  	v17 =	vmul.f32 v17, v15;
	_ =	sdelay $0x1  }
0xa7: {  	v17 =	vsub.f32 $1.500000000e+00, v17;
	_ =	sdelay $0x1  }
0xa8: {  	v15 =	vmul.f32 v17, v15  }
0xa9: {  	(erf) = vrcp.f32 v8  }
0xaa: {  	v8 =	vmul.f32 v15, v59;
	_ =	sdelay $0x1  }
0xab: {  	v8 =	vmul.f32 v8, v15  }
0xac: {  	v61 =	vld.idx.msk [tilespmem:v14+s29+$0x0], $0xffff  }
0xad: {  	v8 =	vsub.f32 $1.500000000e+00, v8;
	_ =	sdelay $0x1  }
0xae: {  	v8 =	vmul.f32 v8, v15;
	_ =	sdelay $0x1  }
0xaf: {  	s23 =	sadd.s32 $0x1, s23;
	v62 =	vsel vm2, $0x8, v61;
	v63 =	vpop (erf);
	v8 =	vmul.f32 v8, v13  }
0xb0: {  	p0 =	sne.s32 s23, $0x2B;
	[tilespmem:s20+$0x11E0] =	vst v62;
	v11 =	vmul.f32 v11, v63  }
.Ltmp3:
0xb1: {  	[tilespmem:s20+$0x1F50] =	vst v8;
	v8 =	vmul.f32 v12, v63;
	(pc) =	sbr.rel @!p0 .LBB2_16-.Ltmp3, $4  }
0xb2: {  	v10 =	vmul.f32 v52, v63;
	[tilespmem:s20+$0x1490] =	vst v11  }
0xb3: {  	[tilespmem:s20+$0x1740] =	vst v8;
	v8 =	vmul.f32 v53, v63  }
0xb4: {  	[tilespmem:s20+$0x19F0] =	vst v10  }
0xb5: {  	[tilespmem:s20+$0x1CA0] =	vst v8  }
.LBB2_2:
0xb6: {  	s20 =	sshll.u32 s23, $0x4  }
0xb7: {  	v10 =	vld [tilespmem:s20+$0x0]  }
0xb8: {  	v9 =	vld [tilespmem:s20+$0x2B0]  }
0xb9: {  	v8 =	vld [tilespmem:s20+$0x560];
	_ =	sdelay $0x2  }
0xba: {  	v11 =	vld [tilespmem:s20+$0x810];
	(xrf0) =	vmin.scan.msk.f32 $0xffff, v10  }
0xbb: {  	v12 =	vld [tilespmem:s20+$0xAC0];
	(xrf0) =	vmax.scan.msk.f32 $0xffff, v10  }
0xbc: {  	v13 =	vmul.f32 $1.500000000e+00, v8;
	(xrf0) =	vmin.scan.msk.f32 $0xffff, v9  }
0xbd: {  	(xrf0) =	vmax.scan.msk.f32 $0xffff, v9  }
0xbe: {  	(xrf0) =	vmax.scan.msk.f32 $0xffff, v13  }
0xbf: {  	(xrf0) =	vmin.scan.msk.f32 $0xffff, v11  }
0xc0: {  	v16, _, _ =	vpop (xrf0);
	(xrf0) =	vmax.scan.msk.f32 $0xffff, v12  }
0xc1: {  	v15, _, _ =	vpop (xrf0)  }
0xc2: {  	v18, _, _ =	vpop (xrf0)  }
0xc3: {  	v17, _, _ =	vpop (xrf0)  }
0xc4: {  	v14, _, _ =	vpop (xrf0)  }
0xc5: {  	v19, _, _ =	vpop (xrf0)  }
0xc6: {  	v20, _, _ =	vpop (xrf0)  }
0xc7: {  	(v2sf) =	vpush v20, $0xF;
	_ =	sdelay $0x5  }
0xc8: {  	v63 =	vld [tilespmem:$0xD70]  }
0xc9: {  	v21 =	vld [tilespmem:$0xFA0]  }
0xca: {  	v22 =	vld [tilespmem:$0x1010]  }
0xcb: {  	v23 =	vld [tilespmem:$0xDE0]  }
0xcc: {  	v28 =	vld [tilespmem:$0x10F0]  }
0xcd: {  	v24 =	vld [tilespmem:$0xE50];
	v16 =	vbroadcast v16, $0xF;
	v14 =	vbroadcast v14, $0xF  }
0xce: {  	v26 =	vld [tilespmem:$0xEC0];
	v15 =	vbroadcast v15, $0xF;
	v18 =	vbroadcast v18, $0xF  }
0xcf: {  	v19 =	vbroadcast v19, $0xF;
	v25 =	vsub.f32 v21, v14;
	v27 =	vsub.f32 v22, v14  }
0xd0: {  	v17 =	vbroadcast v17, $0xF;
	v21 =	vadd.f32 v21, v14;
	v22 =	vadd.f32 v22, v14  }
0xd1: {  	vm11 =	vge.f32 v28, v19;
	v20 =	vmax.f32 v25, v63;
	v23 =	vmax.f32 v27, v23;
	s0 =	spop (v2sf)  }
0xd2: {  	v21 =	vmin.f32 v21, v24;
	vm2 =	vlt.f32 v20, v15;
	vm4 =	vlt.f32 v23, v17;
	s21 =	sadd.f32 s0, s0  }
0xd3: {  	v30 =	vmin.f32 v22, v26;
	vm3 =	vgt.f32 v21, v16;
	vm2 =	vmand vm2, vm4  }
0xd4: {  	vm2 =	vmand vm2, vm3;
	vm3 =	vgt.f32 v30, v18;
	vm5 =	vle.f32 v28, s21  }
0xd5: {  	vm2 =	vmand vm3, vm2;
	vm3 =	vmand vm11, vm5  }
0xd6: {  	vm2 =	vmand vm3, vm2  }
0xd7: {  	v31 =	vsel vm2, $0x1, v1  }
0xd8: {  	(xrf0) =	vadd.scan.msk.s32 $0xffff, v31;
	_ =	sdelay $0x5  }
0xd9: {  	[tilespmem:s31+$0x0] =	vst.msk vm2, v0;
	v20, _, _ =	vpop (xrf0)  }
0xda: {  	v32 =	vld [tilespmem:$0xD80];
	(v2sf) =	vpush v20, $0xF  }
0xdb: {  	v33 =	vld [tilespmem:$0xFB0]  }
0xdc: {  	v34 =	vld [tilespmem:$0x1020]  }
0xdd: {  	v35 =	vld [tilespmem:$0xDF0]  }
0xde: {  	v40 =	vld [tilespmem:$0x1100]  }
0xdf: {  	v36 =	vld [tilespmem:$0xE60]  }
0xe0: {  	v38 =	vld [tilespmem:$0xED0]  }
0xe1: {  	v37 =	vsub.f32 v33, v14;
	v39 =	vsub.f32 v34, v14  }
0xe2: {  	v22 =	vadd.f32 v34, v14;
	v20 =	vadd.f32 v33, v14  }
0xe3: {  	vm13 =	vge.f32 v40, v19;
	v21 =	vmax.f32 v37, v32;
	v23 =	vmax.f32 v39, v35  }
0xe4: {  	vm2 =	vlt.f32 v21, v15;
	vm3 =	vlt.f32 v23, v17;
	v20 =	vmin.f32 v20, v36  }
0xe5: {  	v41 =	vmin.f32 v22, v38;
	vm2 =	vmand vm2, vm3;
	vm12 =	vgt.f32 v20, v16  }
0xe6: {  	vm14 =	vle.f32 v40, s21;
	vm3 =	vgt.f32 v41, v18;
	vm2 =	vmand vm2, vm12  }
0xe7: {  	vm2 =	vmand vm3, vm2;
	vm3 =	vmand vm13, vm14  }
0xe8: {  	vm2 =	vmand vm3, vm2  }
0xe9: {  	v42 =	vsel vm2, $0x1, v1;
	s0 =	spop (v2sf)  }
0xea: {  	(xrf0) =	vadd.scan.msk.s32 $0xffff, v42;
	[tilespmem:s0+$0x1160] =	vst.msk vm2, v2  }
0xeb: {  	v43 =	vld [tilespmem:$0xD90]  }
0xec: {  	v44 =	vld [tilespmem:$0xFC0]  }
0xed: {  	v45 =	vld [tilespmem:$0x1030]  }
0xee: {  	v46 =	vld [tilespmem:$0xE00]  }
0xef: {  	v52 =	vld [tilespmem:$0x1110]  }
0xf0: {  	v48, _, _ =	vpop (xrf0);
	v47 =	vld [tilespmem:$0xE70]  }
0xf1: {  	(v2sf) =	vpush v48, $0xF;
	v50 =	vld [tilespmem:$0xEE0]  }
0xf2: {  	v49 =	vsub.f32 v44, v14;
	v51 =	vsub.f32 v45, v14  }
0xf3: {  	v21 =	vadd.f32 v44, v14;
	v22 =	vadd.f32 v45, v14  }
0xf4: {  	vm8 =	vge.f32 v52, v19;
	v20 =	vmax.f32 v49, v43;
	v23 =	vmax.f32 v51, v46  }
0xf5: {  	v21 =	vmin.f32 v21, v47;
	vm2 =	vlt.f32 v20, v15;
	vm3 =	vlt.f32 v23, v17  }
0xf6: {  	v53 =	vmin.f32 v22, v50;
	vm15 =	vgt.f32 v21, v16;
	vm2 =	vmand vm2, vm3  }
0xf7: {  	vm9 =	vle.f32 v52, s21;
	vm3 =	vgt.f32 v53, v18;
	vm2 =	vmand vm2, vm15  }
0xf8: {  	vm2 =	vmand vm3, vm2;
	vm3 =	vmand vm8, vm9  }
0xf9: {  	vm2 =	vmand vm3, vm2  }
0xfa: {  	v54 =	vsel vm2, $0x1, v1  }
0xfb: {  	(xrf0) =	vadd.scan.msk.s32 $0xffff, v54;
	_ =	sdelay $0x4  }
0xfc: {  	s5 =	spop (v2sf)  }
0xfd: {  	s0 =	sadd.s32 s0, s5;
	v20, _, _ =	vpop (xrf0)  }
0xfe: {  	[tilespmem:s0+$0x1160] =	vst.msk vm2, v3;
	(v2sf) =	vpush v20, $0xF  }
0xff: {  	v55 =	vld [tilespmem:$0xDA0]  }
0x100: {  	v56 =	vld [tilespmem:$0xFD0]  }
0x101: {  	v57 =	vld [tilespmem:$0x1040]  }
0x102: {  	v58 =	vld [tilespmem:$0xE10]  }
0x103: {  	v63 =	vld [tilespmem:$0x1120]  }
0x104: {  	v59 =	vld [tilespmem:$0xE80]  }
0x105: {  	v61 =	vld [tilespmem:$0xEF0]  }
0x106: {  	v60 =	vsub.f32 v56, v14;
	v62 =	vsub.f32 v57, v14  }
0x107: {  	v21 =	vadd.f32 v56, v14;
	v22 =	vadd.f32 v57, v14  }
0x108: {  	vm11 =	vge.f32 v63, v19;
	v20 =	vmax.f32 v60, v55;
	v23 =	vmax.f32 v62, v58  }
0x109: {  	v21 =	vmin.f32 v21, v59;
	vm2 =	vlt.f32 v20, v15;
	vm3 =	vlt.f32 v23, v17  }
0x10a: {  	v31 =	vmin.f32 v22, v61;
	vm10 =	vgt.f32 v21, v16;
	vm2 =	vmand vm2, vm3  }
0x10b: {  	vm12 =	vle.f32 v63, s21;
	vm3 =	vgt.f32 v31, v18;
	vm2 =	vmand vm2, vm10  }
0x10c: {  	vm2 =	vmand vm3, vm2;
	vm3 =	vmand vm11, vm12  }
0x10d: {  	vm2 =	vmand vm3, vm2;
	s5 =	spop (v2sf)  }
0x10e: {  	v32 =	vsel vm2, $0x1, v1;
	s0 =	sadd.s32 s0, s5  }
0x10f: {  	(xrf0) =	vadd.scan.msk.s32 $0xffff, v32;
	[tilespmem:s0+$0x1160] =	vst.msk vm2, v4  }
0x110: {  	v33 =	vld [tilespmem:$0xDB0]  }
0x111: {  	v34 =	vld [tilespmem:$0xFE0]  }
0x112: {  	v35 =	vld [tilespmem:$0x1050]  }
0x113: {  	v36 =	vld [tilespmem:$0xE20]  }
0x114: {  	v42 =	vld [tilespmem:$0x1130]  }
0x115: {  	v38, _, _ =	vpop (xrf0);
	v37 =	vld [tilespmem:$0xE90]  }
0x116: {  	(v2sf) =	vpush v38, $0xF;
	v40 =	vld [tilespmem:$0xF00]  }
0x117: {  	v39 =	vsub.f32 v34, v14;
	v41 =	vsub.f32 v35, v14  }
0x118: {  	v21 =	vadd.f32 v34, v14;
	v22 =	vadd.f32 v35, v14  }
0x119: {  	vm14 =	vge.f32 v42, v19;
	v20 =	vmax.f32 v39, v33;
	v23 =	vmax.f32 v41, v36  }
0x11a: {  	v21 =	vmin.f32 v21, v37;
	vm2 =	vlt.f32 v20, v15;
	vm3 =	vlt.f32 v23, v17  }
0x11b: {  	v43 =	vmin.f32 v22, v40;
	vm13 =	vgt.f32 v21, v16;
	vm2 =	vmand vm2, vm3  }
0x11c: {  	vm15 =	vle.f32 v42, s21;
	vm3 =	vgt.f32 v43, v18;
	vm2 =	vmand vm2, vm13  }
0x11d: {  	vm2 =	vmand vm3, vm2;
	vm3 =	vmand vm14, vm15  }
0x11e: {  	vm2 =	vmand vm3, vm2  }
0x11f: {  	v44 =	vsel vm2, $0x1, v1  }
0x120: {  	(xrf0) =	vadd.scan.msk.s32 $0xffff, v44;
	_ =	sdelay $0x5  }
0x121: {  	s5 =	spop (v2sf);
	v20, _, _ =	vpop (xrf0)  }
0x122: {  	s0 =	sadd.s32 s0, s5;
	(v2sf) =	vpush v20, $0xF  }
0x123: {  	[tilespmem:s0+$0x1160] =	vst.msk vm2, v5  }
0x124: {  	v45 =	vld [tilespmem:$0xDC0]  }
0x125: {  	v46 =	vld [tilespmem:$0xFF0]  }
0x126: {  	v47 =	vld [tilespmem:$0x1060]  }
0x127: {  	v48 =	vld [tilespmem:$0xE30]  }
0x128: {  	v53 =	vld [tilespmem:$0x1140]  }
0x129: {  	v49 =	vld [tilespmem:$0xEA0]  }
0x12a: {  	v51 =	vld [tilespmem:$0xF10]  }
0x12b: {  	v50 =	vsub.f32 v46, v14;
	v52 =	vsub.f32 v47, v14  }
0x12c: {  	v21 =	vadd.f32 v46, v14;
	v22 =	vadd.f32 v47, v14  }
0x12d: {  	vm9 =	vge.f32 v53, v19;
	v20 =	vmax.f32 v50, v45;
	v23 =	vmax.f32 v52, v48  }
0x12e: {  	v21 =	vmin.f32 v21, v49;
	vm2 =	vlt.f32 v20, v15;
	vm3 =	vlt.f32 v23, v17  }
0x12f: {  	v54 =	vmin.f32 v22, v51;
	vm8 =	vgt.f32 v21, v16;
	vm2 =	vmand vm2, vm3  }
0x130: {  	vm10 =	vle.f32 v53, s21;
	vm3 =	vgt.f32 v54, v18;
	vm2 =	vmand vm2, vm8  }
0x131: {  	vm2 =	vmand vm3, vm2;
	vm3 =	vmand vm9, vm10;
	s5 =	spop (v2sf)  }
0x132: {  	vm2 =	vmand vm3, vm2;
	s0 =	sadd.s32 s0, s5  }
0x133: {  	[tilespmem:s0+$0x1160] =	vst.msk vm2, v6  }
0x134: {  	v55 =	vld [tilespmem:$0xDD0]  }
0x135: {  	v56 =	vld [tilespmem:$0x1000]  }
0x136: {  	v57 =	vld [tilespmem:$0x1070]  }
0x137: {  	v58 =	vld [tilespmem:$0xE40]  }
0x138: {  	v63 =	vld [tilespmem:$0x1150]  }
0x139: {  	v59 =	vld [tilespmem:$0xEB0]  }
0x13a: {  	v61 =	vld [tilespmem:$0xF20]  }
0x13b: {  	v60 =	vsub.f32 v56, v14;
	v62 =	vsub.f32 v57, v14  }
0x13c: {  	v21 =	vadd.f32 v56, v14;
	v14 =	vadd.f32 v57, v14  }
0x13d: {  	vm14 =	vge.f32 v63, v19;
	v20 =	vmax.f32 v60, v55;
	v23 =	vmax.f32 v62, v58  }
0x13e: {  	v21 =	vmin.f32 v21, v59;
	vm3 =	vlt.f32 v20, v15;
	vm11 =	vlt.f32 v23, v17  }
0x13f: {  	v14 =	vmin.f32 v14, v61;
	vm12 =	vgt.f32 v21, v16;
	vm3 =	vmand vm3, vm11  }
0x140: {  	vm6 =	vle.f32 v63, s21;
	vm13 =	vgt.f32 v14, v18;
	vm3 =	vmand vm3, vm12  }
0x141: {  	vm15 =	vmand vm14, vm6;
	vm3 =	vmand vm13, vm3  }
0x142: {  	vm3 =	vmand vm15, vm3  }
0x143: {  	v14 =	vsel vm2, $0x1, v1;
	vm2 =	vmand vm3, vm1  }
0x144: {  	(xrf0) =	vadd.scan.msk.s32 $0xffff, v14;
	v14 =	vsel vm2, $0x1, v1  }
0x145: {  	(xrf0) =	vadd.scan.msk.s32 $0xffff, v14;
	_ =	sdelay $0x4  }
0x146: {  	v14, _, _ =	vpop (xrf0)  }
0x147: {  	(v2sf) =	vpush v14, $0xF;
	v14, _, _ =	vpop (xrf0)  }
0x148: {  	(v2sf) =	vpush v14, $0xF;
	_ =	sdelay $0xd  }
0x149: {  	s21 =	spop (v2sf)  }
0x14a: {  	s0 =	sadd.s32 s0, s21;
	s21 =	spop (v2sf)  }
0x14b: {  	s21 =	sadd.s32 s0, s21  }
0x14c: {  	p0 =	slt.s32 s21, $0x1  }
.Ltmp4:
0x14d: {  	_ = 	snop;
	(pc) =	sbr.rel @p0 .LBB2_3-.Ltmp4, $2  }
0x14e: {  	_ =	sdelay $0x2  }
0x14f: {  	v14 =	vimm.s32 $0x0;
	[tilespmem:s0+$0x1160] =	vst.msk vm2, v7  }
0x150: {  	s0 =	simm.s32 $0x0  }
0x151: {  	p3 =	sgt.s32 s21, $0x1;
	v16 =	vmov s0  }
.Ltmp5:
0x152: {  	_ = 	snop;
	(pc) =	sbr.rel @!p3 .LBB2_5-.Ltmp5, $3  }
0x153: {  	_ =	sdelay $0x1  }
0x154: {  	p0 =	por $0x0, $0x0  }
0x155: {  	v15 =	vimm.f32 $1.000000000e+08;
	p1 =	por $0x0, $0x0;
	p2 =	por $0x0, $0x0;
	s0 =	simm.s32 $0x1;
	v17 =	vld.idx.msk [tilespmem:v16+s31+$0x0], $0xffff  }
0x156: {  	_ =	sdelay $0x3  }
0x157: {  	v16 =	vmov s0;
	_ =	sdelay $0x1  }
0x158: {  	p3 =	sgt.s32 s21, $0x2  }
.Ltmp6:
0x159: {  	_ = 	snop;
	(pc) =	sbr.rel @!p3 .LBB2_7-.Ltmp6, $4  }
0x15a: {  	v19 =	vld.idx.msk [tilespmem:v17+s28+$0x0], $0xffff  }
0x15b: {  	v18 =	vld.idx.msk [tilespmem:v16+s31+$0x0], $0xffff  }
0x15c: {  	v28 =	vld.idx.msk [tilespmem:v17+s25+$0x0], $0xffff  }
0x15d: {  	s0 =	simm.s32 $0x2;
	p0 =	por $0x1, $0x1;
	v27 =	vld.idx.msk [tilespmem:v17+s24+$0x0], $0xffff  }
0x15e: {  	_ =	sdelay $0x1  }
0x15f: {  	v23 =	vmov s0;
	_ =	sdelay $0x1  }
0x160: {  	v16 =	vld.idx.msk [tilespmem:v17+s26+$0x0], $0xffff  }
0x161: {  	v21 =	vld.idx.msk [tilespmem:v17+s3+$0x0], $0xffff  }
0x162: {  	v22 =	vld.idx.msk [tilespmem:v17+s1+$0x0], $0xffff  }
0x163: {  	v31 =	vld.idx.msk [tilespmem:v23+s31+$0x0], $0xffff;
	_ =	sdelay $0x1  }
0x164: {  	p3 =	sgt.s32 s21, $0x3;
	v30 =	vsub.f32 v19, v9  }
.Ltmp7:
0x165: {  	v26 =	vld.idx.msk [tilespmem:v18+s28+$0x0], $0xffff;
	v24 =	vsub.f32 v9, v28;
	v25 =	vsub.f32 v10, v27;
	(pc) =	sbr.rel @!p3 .LBB2_9-.Ltmp7, $4  }
0x166: {  	v29 =	vsub.f32 v16, v10;
	v32 =	vsub.f32 v21, v13  }
0x167: {  	v20 =	vld.idx.msk [tilespmem:v17+s2+$0x0], $0xffff;
	v33 =	vadd.f32 v21, v13;
	v21 =	vmax.f32 v25, v24;
	v25 =	vsub.f32 v22, v13  }
0x168: {  	v45 =	vld.idx.msk [tilespmem:v18+s24+$0x0], $0xffff;
	v22 =	vadd.f32 v22, v13;
	v23 =	vmax.f32 v29, v30;
	v24 =	vmax.f32 v32, v27  }
0x169: {  	s0 =	simm.s32 $0x3;
	p1 =	por $0x1, $0x1;
	v30 =	vld.idx.msk [tilespmem:v18+s25+$0x0], $0xffff;
	v21 =	vmax.f32 v21, v23;
	v23 =	vmin.f32 v33, v16;
	v25 =	vmax.f32 v25, v28  }
0x16a: {  	_ =	sdelay $0x3  }
0x16b: {  	v27 =	vld.idx.msk [tilespmem:v18+s26+$0x0], $0xffff  }
0x16c: {  	v16 =	vmin.f32 v22, v19;
	v28 =	vsub.f32 v10, v24;
	v29 =	vsub.f32 v9, v25;
	v33 =	vld.idx.msk [tilespmem:v18+s3+$0x0], $0xffff  }
0x16d: {  	v32 =	vsub.f32 v23, v10;
	v34 =	vld.idx.msk [tilespmem:v18+s1+$0x0], $0xffff;
	vm2 =	vle.f32 v21, v12;
	v16 =	vsub.f32 v16, v9  }
0x16e: {  	v36 =	vmov s0;
	vm3 =	vge.f32 v21, v11;
	v35 =	vsub.f32 v26, v9  }
0x16f: {  	vm2 =	vmand vm3, vm2;
	v28 =	vmin.f32 v28, v29;
	v16 =	vmin.f32 v32, v16  }
0x170: {  	v62 =	vsub.f32 v9, v30;
	v16 =	vmin.f32 v28, v16;
	v28 =	vsub.f32 v10, v45  }
0x171: {  	p3 =	sgt.s32 s21, $0x4;
	vm3 =	vgt.f32 v16, $0.0e+00;
	v16 =	vsub.f32 v27, v10;
	v37 =	vsub.f32 v33, v13  }
.Ltmp8:
0x172: {  	v42 =	vld.idx.msk [tilespmem:v31+s28+$0x0], $0xffff;
	v33 =	vadd.f32 v33, v13;
	v41 =	vsub.f32 v34, v13;
	(pc) =	sbr.rel @!p3 .LBB2_11-.Ltmp8, $4  }
0x173: {  	v29 =	vld.idx.msk [tilespmem:v18+s2+$0x0], $0xffff;
	v38 =	vadd.f32 v34, v13;
	v34 =	vimm.s32 $0x0;
	vm2 =	vmand vm2, vm3  }
0x174: {  	v28 =	vmax.f32 v28, v62;
	v63 =	vmax.f32 v16, v35;
	v35 =	vnsel vm2, $0x4CBEBC20, v20;
	v16 =	vld.idx.msk [tilespmem:v36+s31+$0x0], $0xffff  }
0x175: {  	v39 =	vmin.f32 v33, v27;
	v40 =	vmax.f32 v37, v45;
	v41 =	vmax.f32 v41, v30;
	v27 =	vld.idx.msk [tilespmem:v31+s24+$0x0], $0xffff  }
0x176: {  	s0 =	simm.s32 $0x4;
	p2 =	por $0x1, $0x1;
	v36 =	vimm.f32 $1.000000000e+08;
	v45 =	vmovc v31;
	v32 =	vmax.f32 v28, v63;
	v28 =	vld.idx.msk [tilespmem:v31+s25+$0x0], $0xffff;
	v30 =	vmin.f32 v15, v35;
	v33 =	vmovc v17  }
.LBB2_12:
0x177: {  	v37 =	vld.idx.msk [tilespmem:v31+s26+$0x0], $0xffff;
	v46 =	vmin.f32 v38, v26;
	v38 =	vsub.f32 v10, v40;
	v39 =	vsub.f32 v39, v10;
	s5 =	smov.u32 s0;
	s0 =	sadd.s32 $0x1, s0  }
0x178: {  	v47 =	vsub.f32 v9, v41;
	vm2 =	vlt.f32 v35, v36;
	p3 =	slt.s32 s0, s21;
	v40 =	vld.idx.msk [tilespmem:v31+s3+$0x0], $0xffff;
	v43 =	vsub.f32 v46, v9  }
0x179: {  	vm3 =	vle.f32 v32, v12;
	v26 =	vmovc v42;
	v34 =	vsel vm2, v33, v34;
	v33 =	vmov v18;
	v44 =	vld.idx.msk [tilespmem:v31+s1+$0x0], $0xffff  }
0x17a: {  	v46 =	vmov s5;
	v18 =	vmovc v31;
	v35 =	vmin.f32 v38, v47;
	v31 =	vmovc v16;
	v39 =	vmin.f32 v39, v43  }
0x17b: {  	vm2 =	vge.f32 v32, v11;
	v38 =	vsub.f32 v9, v28;
	v41 =	vmovc v28;
	v32 =	vmin.f32 v35, v39  }
0x17c: {  	v36 =	vmovc v30;
	vm2 =	vmand vm2, vm3;
	v28 =	vsub.f32 v10, v27;
	v42 =	vld.idx.msk [tilespmem:v16+s28+$0x0], $0xffff;
	vm3 =	vgt.f32 v32, $0.0e+00  }
.Ltmp9:
0x17d: {  	v39 =	vsub.f32 v26, v9;
	v32 =	vsub.f32 v37, v10;
	vm2 =	vmand vm2, vm3;
	(pc) =	sbr.rel @p3 .LBB2_12-.Ltmp9, $4  }
0x17e: {  	v43 =	vsub.f32 v40, v13;
	v40 =	vadd.f32 v40, v13;
	v35 =	vnsel vm2, $0x4CBEBC20, v29;
	v29 =	vld.idx.msk [tilespmem:v45+s2+$0x0], $0xffff;
	v45 =	vmovc v16  }
0x17f: {  	v38 =	vmax.f32 v28, v38;
	v32 =	vmax.f32 v32, v39;
	v16 =	vld.idx.msk [tilespmem:v46+s31+$0x0], $0xffff;
	v46 =	vsub.f32 v44, v13  }
0x180: {  	v32 =	vmax.f32 v38, v32;
	v39 =	vmin.f32 v40, v37;
	v38 =	vadd.f32 v44, v13;
	v28 =	vld.idx.msk [tilespmem:v31+s25+$0x0], $0xffff  }
0x181: {  	v40 =	vmax.f32 v43, v27;
	v30 =	vmin.f32 v30, v35;
	v27 =	vld.idx.msk [tilespmem:v31+s24+$0x0], $0xffff;
	v41 =	vmax.f32 v46, v41  }
0x182: {  	v43 =	vmovc v26;
	v44 =	vmovc v18;
	v37 =	vmov v31;
	v26 =	vmov v42;
	v18 =	vmov v45  }
.LBB2_14:
0x183: {  	_ =	sdelay $0x3  }
0x184: {  	v31 =	vld.idx.msk @p0 [tilespmem:v37+s26+$0x0], $0xffff  }
0x185: {  	v42 =	vld.idx.msk @p0 [tilespmem:v37+s3+$0x0], $0xffff  }
0x186: {  	v18 =	vld.idx.msk @p0 [tilespmem:v18+s2+$0x0], $0xffff  }
0x187: {  	v38 =	vmin.f32 @p1 v38, v43;
	v40 =	vsub.f32 @p1 v10, v40;
	v41 =	vsub.f32 @p1 v9, v41;
	v46 =	vld.idx.msk [tilespmem:v16+s28+$0x0], $0xffff  }
0x188: {  	v39 =	vsub.f32 @p1 v39, v10;
	vm2 =	vlt.f32 @p2 v35, v36;
	vm3 =	vle.f32 @p1 v32, v12;
	v47 =	vld.idx.msk [tilespmem:v16+s25+$0x0], $0xffff  }
0x189: {  	v19 =	vpsel p0, v26, v19;
	v17 =	vpsel p0, v37, v17;
	v38 =	vsub.f32 @p1 v38, v9;
	v48 =	vld.idx.msk [tilespmem:v16+s24+$0x0], $0xffff  }
0x18a: {  	v33 =	vsel @p2 vm2, v33, v34;
	vm2 =	vge.f32 @p1 v32, v11;
	v49 =	vld.idx.msk [tilespmem:v16+s26+$0x0], $0xffff;
	v34 =	vmin.f32 @p1 v40, v41  }
0x18b: {  	v50 =	vld.idx.msk [tilespmem:v16+s3+$0x0], $0xffff;
	vm2 =	vmand @p1 vm2, vm3;
	v36 =	vmin.f32 @p1 v39, v38;
	v38 =	vsub.f32 @p0 v9, v28  }
0x18c: {  	v51 =	vld.idx.msk [tilespmem:v16+s1+$0x0], $0xffff;
	v32 =	vmin.f32 @p1 v34, v36;
	v34 =	vsub.f32 @p0 v10, v27;
	v36 =	vsub.f32 @p0 v26, v9  }
0x18d: {  	v35 =	vld.idx.msk @p0 [tilespmem:v37+s1+$0x0], $0xffff;
	vm3 =	vgt.f32 @p1 v32, $0.0e+00;
	v32 =	vsub.f32 @p0 v31, v10;
	v39 =	vsub.f32 @p0 v42, v13  }
0x18e: {  	v40 =	vadd.f32 @p0 v42, v13;
	v18 =	vpsel p0, v18, v20;
	v52 =	vsub.f32 v9, v47  }
0x18f: {  	vm2 =	vmand @p1 vm2, vm3;
	v53 =	vsub.f32 v10, v48;
	v54 =	vsub.f32 v49, v10  }
0x190: {  	v34 =	vmax.f32 @p0 v34, v38;
	v55 =	vsub.f32 v46, v9;
	v56 =	vsub.f32 v50, v13  }
0x191: {  	v57 =	vadd.f32 v50, v13;
	v58 =	vsub.f32 v51, v13;
	v32 =	vmax.f32 @p0 v32, v36  }
0x192: {  	v36 =	vsub.f32 @p0 v35, v13;
	v29 =	vnsel @p1 vm2, $0x4CBEBC20, v29;
	v31 =	vmin.f32 @p0 v40, v31  }
0x193: {  	v27 =	vmax.f32 @p0 v39, v27;
	v32 =	vmax.f32 @p0 v34, v32;
	v34 =	vadd.f32 @p0 v35, v13  }
0x194: {  	v41 =	vmovc @p1 v44;
	v24 =	vpsel p0, v27, v24;
	v23 =	vpsel p0, v31, v23;
	v27 =	vpsel p1, v29, v0  }
0x195: {  	v31 =	vpsel p1, v41, v0;
	v13 =	vadd.f32 v51, v13;
	v59 =	vmin.f32 v57, v49  }
0x196: {  	v60 =	vmax.f32 v56, v48;
	v61 =	vmax.f32 v58, v47;
	v28 =	vmax.f32 @p0 v36, v28  }
0x197: {  	v21 =	vpsel p0, v32, v21;
	v32 =	vpsel p2, v33, v14;
	v23 =	vsub.f32 @p0 v23, v10  }
0x198: {  	v20 =	vsub.f32 v59, v10;
	v62 =	vsub.f32 v9, v61;
	v22 =	vpsel p0, v34, v22  }
0x199: {  	v25 =	vpsel p0, v28, v25;
	v13 =	vmin.f32 v13, v46;
	v36 =	vmovc @p1 v30;
	v30 =	vmin.f32 @p1 v30, v29  }
0x19a: {  	v19 =	vmin.f32 @p0 v22, v19;
	v22 =	vsub.f32 @p0 v10, v24;
	v25 =	vsub.f32 @p0 v9, v25  }
0x19b: {  	v13 =	vsub.f32 v13, v9;
	v28 =	vpsel p1, v36, v0;
	v19 =	vsub.f32 @p0 v19, v9  }
0x19c: {  	vm3 =	vle.f32 @p0 v21, v12;
	v24 =	vpsel p1, v30, v15;
	vm2 =	vlt.f32 @p1 v27, v28  }
0x19d: {  	v22 =	vmin.f32 @p0 v22, v25;
	v13 =	vmin.f32 v20, v13;
	v19 =	vmin.f32 @p0 v23, v19  }
0x19e: {  	v27 =	vsel @p1 vm2, v31, v32;
	vm2 =	vge.f32 @p0 v21, v11;
	v19 =	vmin.f32 @p0 v22, v19  }
0x19f: {  	v23 =	vsub.f32 v10, v60;
	vm2 =	vmand @p0 vm2, vm3;
	vm3 =	vgt.f32 @p0 v19, $0.0e+00  }
0x1a0: {  	v21 =	vmax.f32 v53, v52;
	v19 =	vmax.f32 v54, v55;
	vm2 =	vmand @p0 vm2, vm3  }
0x1a1: {  	v63 =	vld.idx.msk [tilespmem:v16+s2+$0x0], $0xffff;
	v22 =	vmin.f32 v23, v62;
	v19 =	vmax.f32 v21, v19;
	v18 =	vnsel @p0 vm2, $0x4CBEBC20, v18  }
0x1a2: {  	vm2 =	vle.f32 v19, v12;
	vm3 =	vge.f32 v19, v11;
	v11 =	vmin.f32 v22, v13  }
0x1a3: {  	v26 =	vmovc @p0 v24;
	v12 =	vpsel p0, v17, v0;
	v21 =	vmin.f32 @p0 v24, v18;
	v18 =	vpsel p0, v18, v0  }
.Ltmp10:
0x1a4: {  	v24 =	vpsel p0, v26, v0;
	vm2 =	vmand vm3, vm2;
	vm3 =	vgt.f32 v11, $0.0e+00;
	(pc) =	sbr.rel .LBB2_15-.Ltmp10, $4  }
0x1a5: {  	v11 =	vpsel p1, v27, v14;
	vm2 =	vmand vm2, vm3;
	vm3 =	vlt.f32 @p0 v18, v24  }
0x1a6: {  	v13 =	vpsel p0, v21, v15;
	v11 =	vsel @p0 vm3, v12, v11;
	v12 =	vnsel vm2, $0x4CBEBC20, v63  }
0x1a7: {  	v15 =	vmin.f32 v13, v12;
	v11 =	vpsel p0, v11, v14;
	vm2 =	vlt.f32 v12, v13  }
0x1a8: {  	v14 =	vsel vm2, v16, v11;
	vm2 =	vge.f32 v15, $1.000000000e+08  }
.LBB2_5:
.Ltmp11:
0x1a9: {  	_ = 	snop;
	(pc) =	sbr.rel .LBB2_14-.Ltmp11, $2  }
0x1aa: {  	_ =	sdelay $0x2  }
0x1ab: {  	v34 =	vimm.s32 $0x0;
	v30 =	vimm.f32 $1.000000000e+08;
	v16 =	vmov v17  }
.LBB2_7:
.Ltmp12:
0x1ac: {  	(pc) =	sbr.rel .LBB2_14-.Ltmp12, $3  }
0x1ad: {  	_ =	sdelay $0x1  }
0x1ae: {  	v37 =	vmov v17  }
0x1af: {  	v34 =	vimm.s32 $0x0;
	v30 =	vimm.f32 $1.000000000e+08;
	v26 =	vmovc v19;
	v16 =	vmovc v18;
	v18 =	vmov v17  }
.LBB2_9:
.Ltmp13:
0x1b0: {  	_ = 	snop;
	(pc) =	sbr.rel .LBB2_14-.Ltmp13, $4  }
0x1b1: {  	_ = 	snop  }
0x1b2: {  	v37 =	vmovc v18;
	v38 =	vmov v22;
	v43 =	vmov v19;
	v40 =	vmov v24  }
0x1b3: {  	v39 =	vmovc v23;
	v41 =	vmovc v25;
	v32 =	vmov v21;
	v34 =	vimm.s32 $0x0;
	v44 =	vmov v17  }
0x1b4: {  	v16 =	vmovc v31;
	v29 =	vmovc v20;
	v27 =	vmov v45;
	v28 =	vmov v30;
	v30 =	vimm.f32 $1.000000000e+08  }
.LBB2_11:
.Ltmp14:
0x1b5: {  	(pc) =	sbr.rel .LBB2_14-.Ltmp14, $3  }
0x1b6: {  	_ =	sdelay $0x1  }
0x1b7: {  	v43 =	vmov v26;
	v44 =	vmov v18;
	v37 =	vmov v31  }
0x1b8: {  	v36 =	vimm.f32 $1.000000000e+08;
	v33 =	vmovc v17;
	v34 =	vimm.s32 $0x0;
	v26 =	vmovc v42;
	v18 =	vmov v31  }
.LBB2_17:
0x1b9: {  	_ =	sfence.sel $0x180000  }
0x1ba: {  	[bflag:$0x0] =	sbarrier.arrive $0xFFFF  }
0x1bb: {  	_ =	strace $0x90000047  }
0x1bc: {  	s0 =	stileid.u32;
	[bflag:$0x2] =	sbarrier.arrive $0xFFFF  }
0x1bd: {  	p0 =	sne.s32 s0, $0x0;
	s0 =	rddreg [dreg:$0x6]  }
0x1be: {  	s0 =	sadd.s32 @!p0 $0x100000, s0  }
0x1bf: {  	[sflag:s0] =	ssyncadd.tile.s32 @!p0 $0x1;
	_ =	shalt  }
.Lfunc_end2:
_tile_overlayer_lowered:
.L_overlay_start_2:
0x1c0: {  	(tag) =	ssettag $0x2  }
0x1c1: {  	s0 =	rddreg [dreg:$0x0];
	s2 =	stileid.u32  }
0x1c2: {  	s1 =	rddreg [dreg:$0x1];
	p0 =	sne.s32 s2, $0x0  }
0x1c3: {  	s3 =	rddreg [dreg:$0x2];
	[bflag:$0x3] =	sbarrier.arrive $0xFFFF;
	s2 =	simm.s32 @!p0 $0x1C02  }
0x1c4: {  	[timem:s3], [sflag:s2] =	dma.local @!p0 [hbm:s0], s1  }
0x1c5: {  	s0 =	simm.s32 @!p0 $0x2  }
0x1c6: {  	_ =	swait.ge @!p0 [sflag:s0], s1  }
0x1c7: {  	s1 =	ssub.s32 @!p0 $0x0, s1;
	[sflag:s0] =	ssyncset.done @!p0 $0x0  }
0x1c8: {  	[sflag:s0] =	ssyncadd.s32 @!p0 s1  }
0x1c9: {  	[bflag:$0x3] =	sbarrier.arrive $0xFFFF  }
0x1ca: {  	_ =	shalt  }

</sc_bundles>
